<compile_context>
chip_gen: v7x
topology: tpu7x:2x2x1
jax: 0.10.2.dev20260603
libtpu: 0.0.44.dev20260713+nightly
codegen_flags: <defaults>
</compile_context>

<pallas_src>
import functools

import jax
import jax.numpy as jnp
from jax import lax
from jax.experimental import pallas as pl
from jax.experimental.pallas import tpu as pltpu
from jax.experimental.pallas import tpu_sc as plsc

_NC = 2
_NS = 16
_CH = 80
_NP = 10240


@functools.lru_cache(maxsize=None)
def _build_sc(N, E, DF, DE):
    R = E // _CH
    K = R // (_NC * _NS)
    assert R % (_NC * _NS) == 0 and K % 2 == 1 and K >= 5
    stripe = _NP // _NS
    mesh = plsc.VectorSubcoreMesh(core_axis_name="c", subcore_axis_name="s",
                                  num_cores=_NC, num_subcores=_NS)

    @functools.partial(
        pl.kernel,
        out_type=(
            jax.ShapeDtypeStruct((_NC * _NP, DF), jnp.float32),
            jax.ShapeDtypeStruct((_NC * _NP, DE), jnp.float32),
            jax.ShapeDtypeStruct((_NC * _NP, DE), jnp.float32),
        ),
        mesh=mesh,
        compiler_params=pltpu.CompilerParams(use_tc_tiling_on_sc=False),
        scratch_types=[
            pltpu.VMEM_SHARED((_NP, DF), jnp.float32),
            pltpu.VMEM_SHARED((_NP, DE), jnp.float32),
            pltpu.VMEM_SHARED((_NP, DE), jnp.float32),
            pltpu.VMEM((2, _CH), jnp.int32),
            pltpu.VMEM((2, _CH), jnp.int32),
            pltpu.VMEM((_CH, DE), jnp.float32),
            pltpu.VMEM((_CH, DE), jnp.float32),
            pltpu.VMEM((_CH, DF), jnp.float32),
            pltpu.VMEM((_CH, DF), jnp.float32),
            pltpu.VMEM((_CH, DE), jnp.float32),
            pltpu.SemaphoreType.DMA,
            pltpu.SemaphoreType.DMA,
            pltpu.SemaphoreType.DMA,
            pltpu.SemaphoreType.DMA,
            pltpu.SemaphoreType.DMA,
            pltpu.SemaphoreType.DMA,
        ],
    )
    def sc_k(h_hbm, ei_hbm, ef_hbm, z_f_hbm, z_e_hbm,
             out_h, out_e, out_d,
             acc_h, acc_e, acc_d, sd0, sd1, ef0, ef1, rows0, rows1,
             ones_v, si0, si1, sg0, sg1, ss0, ss1):
        c = lax.axis_index("c")
        s = lax.axis_index("s")
        wid = s * _NC + c
        sb = s * stripe
        for t in range(stripe // _CH):
            o = sb + t * _CH
            pltpu.sync_copy(z_f_hbm.at[pl.ds(o, _CH)], acc_h.at[pl.ds(o, _CH)])
        pltpu.sync_copy(z_e_hbm.at[pl.ds(sb, stripe)], acc_e.at[pl.ds(sb, stripe)])
        pltpu.sync_copy(z_e_hbm.at[pl.ds(sb, stripe)], acc_d.at[pl.ds(sb, stripe)])
        one16 = jnp.ones((16,), jnp.float32)
        for r in range(_CH):
            ones_v[r] = one16
        plsc.subcore_barrier()

        kbase = wid * K

        def idx_load(k, sd, si):
            pltpu.async_copy(ei_hbm.at[:, pl.ds((kbase + k) * _CH, _CH)], sd, si)

        def wait_idx(sd, si):
            pltpu.make_async_copy(ei_hbm.at[:, pl.ds(0, _CH)], sd, si).wait()

        def gathers(k, sd, rows, ef, sg):
            pltpu.async_copy(h_hbm.at[sd.at[0]], rows, sg)
            pltpu.async_copy(ef_hbm.at[pl.ds((kbase + k) * _CH, _CH)], ef, sg)

        def wait_gathers(rows, ef, sg):
            pltpu.make_async_copy(h_hbm.at[pl.ds(0, _CH)], rows, sg).wait()
            pltpu.make_async_copy(ef_hbm.at[pl.ds(0, _CH)], ef, sg).wait()

        def scatters(sd, rows, ef, ss):
            pltpu.async_copy(rows, acc_h.at[sd.at[1]], ss, add=True)
            pltpu.async_copy(ef, acc_e.at[sd.at[1]], ss, add=True)
            pltpu.async_copy(ones_v, acc_d.at[sd.at[1]], ss, add=True)

        def wait_scatters(rows, ef, ss):
            pltpu.make_async_copy(rows, acc_h.at[pl.ds(0, _CH)], ss).wait()
            pltpu.make_async_copy(ef, acc_e.at[pl.ds(0, _CH)], ss).wait()
            pltpu.make_async_copy(ones_v, acc_d.at[pl.ds(0, _CH)], ss).wait()

        idx_load(0, sd0, si0)
        idx_load(1, sd1, si1)
        wait_idx(sd0, si0)
        gathers(0, sd0, rows0, ef0, sg0)
        wait_gathers(rows0, ef0, sg0)
        scatters(sd0, rows0, ef0, ss0)
        wait_idx(sd1, si1)
        gathers(1, sd1, rows1, ef1, sg1)

        @pl.loop(0, (K - 3) // 2)
        def _(j):
            k2 = 2 * j + 2
            k3 = 2 * j + 3
            wait_scatters(rows0, ef0, ss0)
            idx_load(k2, sd0, si0)
            wait_gathers(rows1, ef1, sg1)
            scatters(sd1, rows1, ef1, ss1)
            wait_idx(sd0, si0)
            gathers(k2, sd0, rows0, ef0, sg0)
            wait_scatters(rows1, ef1, ss1)
            idx_load(k3, sd1, si1)
            wait_gathers(rows0, ef0, sg0)
            scatters(sd0, rows0, ef0, ss0)
            wait_idx(sd1, si1)
            gathers(k3, sd1, rows1, ef1, sg1)

        wait_scatters(rows0, ef0, ss0)
        idx_load(K - 1, sd0, si0)
        wait_gathers(rows1, ef1, sg1)
        scatters(sd1, rows1, ef1, ss1)
        wait_idx(sd0, si0)
        gathers(K - 1, sd0, rows0, ef0, sg0)
        wait_gathers(rows0, ef0, sg0)
        scatters(sd0, rows0, ef0, ss0)
        wait_scatters(rows1, ef1, ss1)
        wait_scatters(rows0, ef0, ss0)

        plsc.subcore_barrier()
        ob = c * _NP + sb
        for t in range(stripe // _CH):
            pltpu.sync_copy(acc_h.at[pl.ds(sb + t * _CH, _CH)],
                            out_h.at[pl.ds(ob + t * _CH, _CH)])
        pltpu.sync_copy(acc_e.at[pl.ds(sb, stripe)], out_e.at[pl.ds(ob, stripe)])
        pltpu.sync_copy(acc_d.at[pl.ds(sb, stripe)], out_d.at[pl.ds(ob, stripe)])

    return sc_k


def _tc_body(hs_ref, ah_ref, ae_ref, ad_ref,
             wsT_ref, wn1T_ref, wn2T_ref, o_ref):
    deg = ad_ref[0, :, 0:1] + ad_ref[1, :, 0:1]
    inv = 1.0 / jnp.where(deg == 0.0, 1.0, deg)
    nm = (ah_ref[0] + ah_ref[1]) * inv
    em = (ae_ref[0] + ae_ref[1]) * inv
    z = (jnp.dot(hs_ref[...], wsT_ref[...])
         + jnp.dot(nm, wn1T_ref[...])
         + jnp.dot(em, wn2T_ref[...]))
    z = jnp.maximum(z, 0.0)
    nrm = jnp.sqrt(jnp.sum(z * z, axis=1, keepdims=True))
    o_ref[...] = z / jnp.where(nrm == 0.0, 1.0, nrm)


@functools.lru_cache(maxsize=None)
def _build_tc(N, DF, DE, DO, blk):
    g = N // blk

    def spec(d):
        return pl.BlockSpec((2, blk, d), lambda i: (0, i, 0))

    full = lambda a, b: pl.BlockSpec((a, b), lambda i: (0, 0))
    return pl.pallas_call(
        _tc_body,
        grid=(g,),
        in_specs=[
            pl.BlockSpec((blk, DF), lambda i: (i, 0)),
            spec(DF), spec(DE), spec(DE),
            full(DF, DO), full(DF, DO), full(DE, DO),
        ],
        out_specs=pl.BlockSpec((blk, DO), lambda i: (i, 0)),
        out_shape=jax.ShapeDtypeStruct((N, DO), jnp.float32),
    )


def kernel(h_neigh, h_self, edge_index, edge_features, W_self, W_neigh):
    N, DF = h_neigh.shape
    E = edge_index.shape[1]
    DE = edge_features.shape[1]
    DO = W_self.shape[0]
    z_f = jnp.zeros((_NP, DF), jnp.float32)
    z_e = jnp.zeros((_NP, DE), jnp.float32)
    out_h, out_e, out_d = _build_sc(N, E, DF, DE)(
        h_neigh, edge_index, edge_features, z_f, z_e)
    wsT = W_self.T
    wn1T = W_neigh[:, :DF].T
    wn2T = W_neigh[:, DF:].T
    return _build_tc(N, DF, DE, DO, 1000)(
        h_self,
        out_h.reshape(2, _NP, DF),
        out_e.reshape(2, _NP, DE),
        out_d.reshape(2, _NP, DE),
        wsT, wn1T, wn2T)

# --- scband reference (transcript-rebuilt; emitter-appended) ---
"""Pipeline reference for scband-conv-layer-56710748176450 (READ-ONLY COPY).

The authoritative reference and input builder live on the scoring server;
editing this copy changes nothing except your own understanding.
"""

import jax, jax.numpy as jnp
import numpy as np

N = 10000
E = 320000
D_FEAT = 128
D_EDGE = 16
D_OUT = 128


def setup_inputs(seed: int = 0) -> dict:
    key = jax.random.key(seed)
    k1, k2, k3, k4, k5, k6 = jax.random.split(key, 6)
    h_neigh = jax.random.normal(k1, (N, D_FEAT), dtype=jnp.float32)
    h_self = jax.random.normal(k2, (N, D_FEAT), dtype=jnp.float32)
    edge_index = jax.random.randint(k3, (2, E), 0, N, dtype=jnp.int32)
    edge_features = jax.random.normal(k4, (E, D_EDGE), dtype=jnp.float32)
    # learned parameters (xavier-ish scale)
    W_self = jax.random.normal(k5, (D_OUT, D_FEAT), dtype=jnp.float32) * (1.0 / np.sqrt(D_FEAT))
    W_neigh = jax.random.normal(k6, (D_OUT, D_FEAT + D_EDGE), dtype=jnp.float32) * (1.0 / np.sqrt(D_FEAT + D_EDGE))
    return {"h_neigh": h_neigh, "h_self": h_self, "edge_index": edge_index,
            "edge_features": edge_features, "W_self": W_self, "W_neigh": W_neigh}


def reference(h_neigh, h_self, edge_index, edge_features, W_self, W_neigh):
    # aggregator_type = 'mean', dropout = 0.0 (identity), norm = True
    src = edge_index[0]
    dst = edge_index[1]
    num_nodes = h_self.shape[0]
    # in-degree per destination node
    deg = jax.ops.segment_sum(jnp.ones((edge_index.shape[1],), dtype=jnp.float32), dst, num_segments=num_nodes)
    safe_deg = jnp.where(deg == 0, 1.0, deg)[:, None]
    # graph.update_all(copy_e('features'), mean) -> dstdata['edge']
    edge_mean = jax.ops.segment_sum(edge_features, dst, num_segments=num_nodes) / safe_deg
    # graph.update_all(copy_u('h'), mean) -> dstdata['neigh']
    messages = jnp.take(h_neigh, src, axis=0)
    neigh_mean = jax.ops.segment_sum(messages, dst, num_segments=num_nodes) / safe_deg
    # h_neigh = cat([neigh, edge], dim=1)
    h_neigh_agg = jnp.concatenate([neigh_mean, edge_mean], axis=1)
    # z = fc_self(h_self) + fc_neigh(h_neigh); relu; L2 norm
    z = h_self @ W_self.T + h_neigh_agg @ W_neigh.T
    z = jax.nn.relu(z)
    z_norm = jnp.linalg.norm(z, ord=2, axis=1, keepdims=True)
    z_norm = jnp.where(z_norm == 0, 1.0, z_norm)
    return z / z_norm

if __name__ == "__main__":
    import jax
    _d = setup_inputs()
    print(jax.jit(kernel)(*tuple(_d.values())))

</pallas_src>

<mosaic_0001>
#map = affine_map<(d0, d1) -> (0, 0)>
module attributes {stable_mosaic.version = 14 : i64} {
  func.func @sc_k(%arg0: i32, %arg1: i32, %arg2: memref<10000x128xf32, #tpu.memory_space<hbm>>, %arg3: memref<2x320000xi32, #tpu.memory_space<hbm>>, %arg4: memref<320000x16xf32, #tpu.memory_space<hbm>>, %arg5: memref<10240x128xf32, #tpu.memory_space<hbm>>, %arg6: memref<10240x16xf32, #tpu.memory_space<hbm>>, %arg7: memref<20480x128xf32, #tpu.memory_space<hbm>>, %arg8: memref<20480x16xf32, #tpu.memory_space<hbm>>, %arg9: memref<20480x16xf32, #tpu.memory_space<hbm>>, %arg10: memref<10240x128xf32, #tpu.memory_space<vmem_shared>>, %arg11: memref<10240x16xf32, #tpu.memory_space<vmem_shared>>, %arg12: memref<10240x16xf32, #tpu.memory_space<vmem_shared>>, %arg13: memref<2x80xi32, #tpu.memory_space<vmem>>, %arg14: memref<2x80xi32, #tpu.memory_space<vmem>>, %arg15: memref<80x16xf32, #tpu.memory_space<vmem>>, %arg16: memref<80x16xf32, #tpu.memory_space<vmem>>, %arg17: memref<80x128xf32, #tpu.memory_space<vmem>>, %arg18: memref<80x128xf32, #tpu.memory_space<vmem>>, %arg19: memref<80x16xf32, #tpu.memory_space<vmem>>, %arg20: memref<!tpu.dma_semaphore, #tpu.memory_space<semaphore_mem>>, %arg21: memref<!tpu.dma_semaphore, #tpu.memory_space<semaphore_mem>>, %arg22: memref<!tpu.dma_semaphore, #tpu.memory_space<semaphore_mem>>, %arg23: memref<!tpu.dma_semaphore, #tpu.memory_space<semaphore_mem>>, %arg24: memref<!tpu.dma_semaphore, #tpu.memory_space<semaphore_mem>>, %arg25: memref<!tpu.dma_semaphore, #tpu.memory_space<semaphore_mem>>) attributes {dimension_semantics = [#tpu.dimension_semantics<core_parallel>, #tpu.dimension_semantics<subcore_parallel>], iteration_bounds = array<i64: 2, 16>, scalar_prefetch = 0 : i64, scratch_operands = 16 : i64, tpu.core_type = #tpu.core_type<sc_vector_subcore>, window_params = [{transform_indices = #map}, {transform_indices = #map}, {transform_indices = #map}, {transform_indices = #map}, {transform_indices = #map}, {transform_indices = #map}, {transform_indices = #map}, {transform_indices = #map}]} {
    %mul3A = arith.constant 2 : i32
    %mul3A_0 = arith.muli %arg1, %mul3A : i32
    %add3A = arith.addi %mul3A_0, %arg0 : i32
    %mul3A_1 = arith.constant 640 : i32
    %mul3A_2 = arith.muli %arg1, %mul3A_1 : i32
    %add3A_3 = arith.constant 0 : i32
    %add3A_4 = arith.addi %mul3A_2, %add3A_3 : i32
    "tpu.region"() ({
      %run_scoped3A = tpu.sem_alloc : memref<!tpu.dma_semaphore, #tpu.memory_space<semaphore_mem>>
      %dma_start3A_779 = arith.constant 0 : i32
      %dma_start3A_780 = tpu.memref_slice %arg10[%add3A_4, %dma_start3A_779] : memref<10240x128xf32, #tpu.memory_space<vmem_shared>> -> memref<80x128xf32, #tpu.memory_space<vmem_shared>>
      %dma_start3A_781 = arith.constant 0 : i32
      %dma_start3A_782 = tpu.memref_slice %arg5[%add3A_4, %dma_start3A_781] : memref<10240x128xf32, #tpu.memory_space<hbm>> -> memref<80x128xf32, #tpu.memory_space<hbm>>
      tpu.enqueue_dma source(%dma_start3A_782 : memref<80x128xf32, #tpu.memory_space<hbm>>) target(%dma_start3A_780 : memref<80x128xf32, #tpu.memory_space<vmem_shared>>) target_semaphore(%run_scoped3A : memref<!tpu.dma_semaphore, #tpu.memory_space<semaphore_mem>>)
      %dma_wait3A_783 = arith.constant 0 : i32
      %dma_wait3A_784 = tpu.memref_slice %arg10[%add3A_4, %dma_wait3A_783] : memref<10240x128xf32, #tpu.memory_space<vmem_shared>> -> memref<80x128xf32, #tpu.memory_space<vmem_shared>>
      %dma_wait3A_785 = arith.constant 0 : i32
      %dma_wait3A_786 = tpu.memref_slice %arg5[%add3A_4, %dma_wait3A_785] : memref<10240x128xf32, #tpu.memory_space<hbm>> -> memref<80x128xf32, #tpu.memory_space<hbm>>
      tpu.wait_dma2 semaphore(%run_scoped3A : memref<!tpu.dma_semaphore, #tpu.memory_space<semaphore_mem>>) src(%dma_wait3A_786 : memref<80x128xf32, #tpu.memory_space<hbm>>) dst(%dma_wait3A_784 : memref<80x128xf32, #tpu.memory_space<vmem_shared>>)
      tpu.yield
    }) : () -> ()
    %add3A_5 = arith.constant 80 : i32
    %add3A_6 = arith.addi %mul3A_2, %add3A_5 : i32
    "tpu.region"() ({
      %run_scoped3A = tpu.sem_alloc : memref<!tpu.dma_semaphore, #tpu.memory_space<semaphore_mem>>
      %dma_start3A_779 = arith.constant 0 : i32
      %dma_start3A_780 = tpu.memref_slice %arg10[%add3A_6, %dma_start3A_779] : memref<10240x128xf32, #tpu.memory_space<vmem_shared>> -> memref<80x128xf32, #tpu.memory_space<vmem_shared>>
      %dma_start3A_781 = arith.constant 0 : i32
      %dma_start3A_782 = tpu.memref_slice %arg5[%add3A_6, %dma_start3A_781] : memref<10240x128xf32, #tpu.memory_space<hbm>> -> memref<80x128xf32, #tpu.memory_space<hbm>>
      tpu.enqueue_dma source(%dma_start3A_782 : memref<80x128xf32, #tpu.memory_space<hbm>>) target(%dma_start3A_780 : memref<80x128xf32, #tpu.memory_space<vmem_shared>>) target_semaphore(%run_scoped3A : memref<!tpu.dma_semaphore, #tpu.memory_space<semaphore_mem>>)
      %dma_wait3A_783 = arith.constant 0 : i32
      %dma_wait3A_784 = tpu.memref_slice %arg10[%add3A_6, %dma_wait3A_783] : memref<10240x128xf32, #tpu.memory_space<vmem_shared>> -> memref<80x128xf32, #tpu.memory_space<vmem_shared>>
      %dma_wait3A_785 = arith.constant 0 : i32
      %dma_wait3A_786 = tpu.memref_slice %arg5[%add3A_6, %dma_wait3A_785] : memref<10240x128xf32, #tpu.memory_space<hbm>> -> memref<80x128xf32, #tpu.memory_space<hbm>>
      tpu.wait_dma2 semaphore(%run_scoped3A : memref<!tpu.dma_semaphore, #tpu.memory_space<semaphore_mem>>) src(%dma_wait3A_786 : memref<80x128xf32, #tpu.memory_space<hbm>>) dst(%dma_wait3A_784 : memref<80x128xf32, #tpu.memory_space<vmem_shared>>)
      tpu.yield
    }) : () -> ()
    %add3A_7 = arith.constant 160 : i32
    %add3A_8 = arith.addi %mul3A_2, %add3A_7 : i32
    "tpu.region"() ({
      %run_scoped3A = tpu.sem_alloc : memref<!tpu.dma_semaphore, #tpu.memory_space<semaphore_mem>>
      %dma_start3A_779 = arith.constant 0 : i32
      %dma_start3A_780 = tpu.memref_slice %arg10[%add3A_8, %dma_start3A_779] : memref<10240x128xf32, #tpu.memory_space<vmem_shared>> -> memref<80x128xf32, #tpu.memory_space<vmem_shared>>
      %dma_start3A_781 = arith.constant 0 : i32
      %dma_start3A_782 = tpu.memref_slice %arg5[%add3A_8, %dma_start3A_781] : memref<10240x128xf32, #tpu.memory_space<hbm>> -> memref<80x128xf32, #tpu.memory_space<hbm>>
      tpu.enqueue_dma source(%dma_start3A_782 : memref<80x128xf32, #tpu.memory_space<hbm>>) target(%dma_start3A_780 : memref<80x128xf32, #tpu.memory_space<vmem_shared>>) target_semaphore(%run_scoped3A : memref<!tpu.dma_semaphore, #tpu.memory_space<semaphore_mem>>)
      %dma_wait3A_783 = arith.constant 0 : i32
      %dma_wait3A_784 = tpu.memref_slice %arg10[%add3A_8, %dma_wait3A_783] : memref<10240x128xf32, #tpu.memory_space<vmem_shared>> -> memref<80x128xf32, #tpu.memory_space<vmem_shared>>
      %dma_wait3A_785 = arith.constant 0 : i32
      %dma_wait3A_786 = tpu.memref_slice %arg5[%add3A_8, %dma_wait3A_785] : memref<10240x128xf32, #tpu.memory_space<hbm>> -> memref<80x128xf32, #tpu.memory_space<hbm>>
      tpu.wait_dma2 semaphore(%run_scoped3A : memref<!tpu.dma_semaphore, #tpu.memory_space<semaphore_mem>>) src(%dma_wait3A_786 : memref<80x128xf32, #tpu.memory_space<hbm>>) dst(%dma_wait3A_784 : memref<80x128xf32, #tpu.memory_space<vmem_shared>>)
      tpu.yield
    }) : () -> ()
    %add3A_9 = arith.constant 240 : i32
    %add3A_10 = arith.addi %mul3A_2, %add3A_9 : i32
    "tpu.region"() ({
      %run_scoped3A = tpu.sem_alloc : memref<!tpu.dma_semaphore, #tpu.memory_space<semaphore_mem>>
      %dma_start3A_779 = arith.constant 0 : i32
      %dma_start3A_780 = tpu.memref_slice %arg10[%add3A_10, %dma_start3A_779] : memref<10240x128xf32, #tpu.memory_space<vmem_shared>> -> memref<80x128xf32, #tpu.memory_space<vmem_shared>>
      %dma_start3A_781 = arith.constant 0 : i32
      %dma_start3A_782 = tpu.memref_slice %arg5[%add3A_10, %dma_start3A_781] : memref<10240x128xf32, #tpu.memory_space<hbm>> -> memref<80x128xf32, #tpu.memory_space<hbm>>
      tpu.enqueue_dma source(%dma_start3A_782 : memref<80x128xf32, #tpu.memory_space<hbm>>) target(%dma_start3A_780 : memref<80x128xf32, #tpu.memory_space<vmem_shared>>) target_semaphore(%run_scoped3A : memref<!tpu.dma_semaphore, #tpu.memory_space<semaphore_mem>>)
      %dma_wait3A_783 = arith.constant 0 : i32
      %dma_wait3A_784 = tpu.memref_slice %arg10[%add3A_10, %dma_wait3A_783] : memref<10240x128xf32, #tpu.memory_space<vmem_shared>> -> memref<80x128xf32, #tpu.memory_space<vmem_shared>>
      %dma_wait3A_785 = arith.constant 0 : i32
      %dma_wait3A_786 = tpu.memref_slice %arg5[%add3A_10, %dma_wait3A_785] : memref<10240x128xf32, #tpu.memory_space<hbm>> -> memref<80x128xf32, #tpu.memory_space<hbm>>
      tpu.wait_dma2 semaphore(%run_scoped3A : memref<!tpu.dma_semaphore, #tpu.memory_space<semaphore_mem>>) src(%dma_wait3A_786 : memref<80x128xf32, #tpu.memory_space<hbm>>) dst(%dma_wait3A_784 : memref<80x128xf32, #tpu.memory_space<vmem_shared>>)
      tpu.yield
    }) : () -> ()
    %add3A_11 = arith.constant 320 : i32
    %add3A_12 = arith.addi %mul3A_2, %add3A_11 : i32
    "tpu.region"() ({
      %run_scoped3A = tpu.sem_alloc : memref<!tpu.dma_semaphore, #tpu.memory_space<semaphore_mem>>
      %dma_start3A_779 = arith.constant 0 : i32
      %dma_start3A_780 = tpu.memref_slice %arg10[%add3A_12, %dma_start3A_779] : memref<10240x128xf32, #tpu.memory_space<vmem_shared>> -> memref<80x128xf32, #tpu.memory_space<vmem_shared>>
      %dma_start3A_781 = arith.constant 0 : i32
      %dma_start3A_782 = tpu.memref_slice %arg5[%add3A_12, %dma_start3A_781] : memref<10240x128xf32, #tpu.memory_space<hbm>> -> memref<80x128xf32, #tpu.memory_space<hbm>>
      tpu.enqueue_dma source(%dma_start3A_782 : memref<80x128xf32, #tpu.memory_space<hbm>>) target(%dma_start3A_780 : memref<80x128xf32, #tpu.memory_space<vmem_shared>>) target_semaphore(%run_scoped3A : memref<!tpu.dma_semaphore, #tpu.memory_space<semaphore_mem>>)
      %dma_wait3A_783 = arith.constant 0 : i32
      %dma_wait3A_784 = tpu.memref_slice %arg10[%add3A_12, %dma_wait3A_783] : memref<10240x128xf32, #tpu.memory_space<vmem_shared>> -> memref<80x128xf32, #tpu.memory_space<vmem_shared>>
      %dma_wait3A_785 = arith.constant 0 : i32
      %dma_wait3A_786 = tpu.memref_slice %arg5[%add3A_12, %dma_wait3A_785] : memref<10240x128xf32, #tpu.memory_space<hbm>> -> memref<80x128xf32, #tpu.memory_space<hbm>>
      tpu.wait_dma2 semaphore(%run_scoped3A : memref<!tpu.dma_semaphore, #tpu.memory_space<semaphore_mem>>) src(%dma_wait3A_786 : memref<80x128xf32, #tpu.memory_space<hbm>>) dst(%dma_wait3A_784 : memref<80x128xf32, #tpu.memory_space<vmem_shared>>)
      tpu.yield
    }) : () -> ()
    %add3A_13 = arith.constant 400 : i32
    %add3A_14 = arith.addi %mul3A_2, %add3A_13 : i32
    "tpu.region"() ({
      %run_scoped3A = tpu.sem_alloc : memref<!tpu.dma_semaphore, #tpu.memory_space<semaphore_mem>>
      %dma_start3A_779 = arith.constant 0 : i32
      %dma_start3A_780 = tpu.memref_slice %arg10[%add3A_14, %dma_start3A_779] : memref<10240x128xf32, #tpu.memory_space<vmem_shared>> -> memref<80x128xf32, #tpu.memory_space<vmem_shared>>
      %dma_start3A_781 = arith.constant 0 : i32
      %dma_start3A_782 = tpu.memref_slice %arg5[%add3A_14, %dma_start3A_781] : memref<10240x128xf32, #tpu.memory_space<hbm>> -> memref<80x128xf32, #tpu.memory_space<hbm>>
      tpu.enqueue_dma source(%dma_start3A_782 : memref<80x128xf32, #tpu.memory_space<hbm>>) target(%dma_start3A_780 : memref<80x128xf32, #tpu.memory_space<vmem_shared>>) target_semaphore(%run_scoped3A : memref<!tpu.dma_semaphore, #tpu.memory_space<semaphore_mem>>)
      %dma_wait3A_783 = arith.constant 0 : i32
      %dma_wait3A_784 = tpu.memref_slice %arg10[%add3A_14, %dma_wait3A_783] : memref<10240x128xf32, #tpu.memory_space<vmem_shared>> -> memref<80x128xf32, #tpu.memory_space<vmem_shared>>
      %dma_wait3A_785 = arith.constant 0 : i32
      %dma_wait3A_786 = tpu.memref_slice %arg5[%add3A_14, %dma_wait3A_785] : memref<10240x128xf32, #tpu.memory_space<hbm>> -> memref<80x128xf32, #tpu.memory_space<hbm>>
      tpu.wait_dma2 semaphore(%run_scoped3A : memref<!tpu.dma_semaphore, #tpu.memory_space<semaphore_mem>>) src(%dma_wait3A_786 : memref<80x128xf32, #tpu.memory_space<hbm>>) dst(%dma_wait3A_784 : memref<80x128xf32, #tpu.memory_space<vmem_shared>>)
      tpu.yield
    }) : () -> ()
    %add3A_15 = arith.constant 480 : i32
    %add3A_16 = arith.addi %mul3A_2, %add3A_15 : i32
    "tpu.region"() ({
      %run_scoped3A = tpu.sem_alloc : memref<!tpu.dma_semaphore, #tpu.memory_space<semaphore_mem>>
      %dma_start3A_779 = arith.constant 0 : i32
      %dma_start3A_780 = tpu.memref_slice %arg10[%add3A_16, %dma_start3A_779] : memref<10240x128xf32, #tpu.memory_space<vmem_shared>> -> memref<80x128xf32, #tpu.memory_space<vmem_shared>>
      %dma_start3A_781 = arith.constant 0 : i32
      %dma_start3A_782 = tpu.memref_slice %arg5[%add3A_16, %dma_start3A_781] : memref<10240x128xf32, #tpu.memory_space<hbm>> -> memref<80x128xf32, #tpu.memory_space<hbm>>
      tpu.enqueue_dma source(%dma_start3A_782 : memref<80x128xf32, #tpu.memory_space<hbm>>) target(%dma_start3A_780 : memref<80x128xf32, #tpu.memory_space<vmem_shared>>) target_semaphore(%run_scoped3A : memref<!tpu.dma_semaphore, #tpu.memory_space<semaphore_mem>>)
      %dma_wait3A_783 = arith.constant 0 : i32
      %dma_wait3A_784 = tpu.memref_slice %arg10[%add3A_16, %dma_wait3A_783] : memref<10240x128xf32, #tpu.memory_space<vmem_shared>> -> memref<80x128xf32, #tpu.memory_space<vmem_shared>>
      %dma_wait3A_785 = arith.constant 0 : i32
      %dma_wait3A_786 = tpu.memref_slice %arg5[%add3A_16, %dma_wait3A_785] : memref<10240x128xf32, #tpu.memory_space<hbm>> -> memref<80x128xf32, #tpu.memory_space<hbm>>
      tpu.wait_dma2 semaphore(%run_scoped3A : memref<!tpu.dma_semaphore, #tpu.memory_space<semaphore_mem>>) src(%dma_wait3A_786 : memref<80x128xf32, #tpu.memory_space<hbm>>) dst(%dma_wait3A_784 : memref<80x128xf32, #tpu.memory_space<vmem_shared>>)
      tpu.yield
    }) : () -> ()
    %add3A_17 = arith.constant 560 : i32
    %add3A_18 = arith.addi %mul3A_2, %add3A_17 : i32
    "tpu.region"() ({
      %run_scoped3A = tpu.sem_alloc : memref<!tpu.dma_semaphore, #tpu.memory_space<semaphore_mem>>
      %dma_start3A_779 = arith.constant 0 : i32
      %dma_start3A_780 = tpu.memref_slice %arg10[%add3A_18, %dma_start3A_779] : memref<10240x128xf32, #tpu.memory_space<vmem_shared>> -> memref<80x128xf32, #tpu.memory_space<vmem_shared>>
      %dma_start3A_781 = arith.constant 0 : i32
      %dma_start3A_782 = tpu.memref_slice %arg5[%add3A_18, %dma_start3A_781] : memref<10240x128xf32, #tpu.memory_space<hbm>> -> memref<80x128xf32, #tpu.memory_space<hbm>>
      tpu.enqueue_dma source(%dma_start3A_782 : memref<80x128xf32, #tpu.memory_space<hbm>>) target(%dma_start3A_780 : memref<80x128xf32, #tpu.memory_space<vmem_shared>>) target_semaphore(%run_scoped3A : memref<!tpu.dma_semaphore, #tpu.memory_space<semaphore_mem>>)
      %dma_wait3A_783 = arith.constant 0 : i32
      %dma_wait3A_784 = tpu.memref_slice %arg10[%add3A_18, %dma_wait3A_783] : memref<10240x128xf32, #tpu.memory_space<vmem_shared>> -> memref<80x128xf32, #tpu.memory_space<vmem_shared>>
      %dma_wait3A_785 = arith.constant 0 : i32
      %dma_wait3A_786 = tpu.memref_slice %arg5[%add3A_18, %dma_wait3A_785] : memref<10240x128xf32, #tpu.memory_space<hbm>> -> memref<80x128xf32, #tpu.memory_space<hbm>>
      tpu.wait_dma2 semaphore(%run_scoped3A : memref<!tpu.dma_semaphore, #tpu.memory_space<semaphore_mem>>) src(%dma_wait3A_786 : memref<80x128xf32, #tpu.memory_space<hbm>>) dst(%dma_wait3A_784 : memref<80x128xf32, #tpu.memory_space<vmem_shared>>)
      tpu.yield
    }) : () -> ()
    "tpu.region"() ({
      %run_scoped3A = tpu.sem_alloc : memref<!tpu.dma_semaphore, #tpu.memory_space<semaphore_mem>>
      %dma_start3A_779 = arith.constant 0 : i32
      %dma_start3A_780 = tpu.memref_slice %arg11[%mul3A_2, %dma_start3A_779] : memref<10240x16xf32, #tpu.memory_space<vmem_shared>> -> memref<640x16xf32, #tpu.memory_space<vmem_shared>>
      %dma_start3A_781 = arith.constant 0 : i32
      %dma_start3A_782 = tpu.memref_slice %arg6[%mul3A_2, %dma_start3A_781] : memref<10240x16xf32, #tpu.memory_space<hbm>> -> memref<640x16xf32, #tpu.memory_space<hbm>>
      tpu.enqueue_dma source(%dma_start3A_782 : memref<640x16xf32, #tpu.memory_space<hbm>>) target(%dma_start3A_780 : memref<640x16xf32, #tpu.memory_space<vmem_shared>>) target_semaphore(%run_scoped3A : memref<!tpu.dma_semaphore, #tpu.memory_space<semaphore_mem>>)
      %dma_wait3A_783 = arith.constant 0 : i32
      %dma_wait3A_784 = tpu.memref_slice %arg11[%mul3A_2, %dma_wait3A_783] : memref<10240x16xf32, #tpu.memory_space<vmem_shared>> -> memref<640x16xf32, #tpu.memory_space<vmem_shared>>
      %dma_wait3A_785 = arith.constant 0 : i32
      %dma_wait3A_786 = tpu.memref_slice %arg6[%mul3A_2, %dma_wait3A_785] : memref<10240x16xf32, #tpu.memory_space<hbm>> -> memref<640x16xf32, #tpu.memory_space<hbm>>
      tpu.wait_dma2 semaphore(%run_scoped3A : memref<!tpu.dma_semaphore, #tpu.memory_space<semaphore_mem>>) src(%dma_wait3A_786 : memref<640x16xf32, #tpu.memory_space<hbm>>) dst(%dma_wait3A_784 : memref<640x16xf32, #tpu.memory_space<vmem_shared>>)
      tpu.yield
    }) : () -> ()
    "tpu.region"() ({
      %run_scoped3A = tpu.sem_alloc : memref<!tpu.dma_semaphore, #tpu.memory_space<semaphore_mem>>
      %dma_start3A_779 = arith.constant 0 : i32
      %dma_start3A_780 = tpu.memref_slice %arg12[%mul3A_2, %dma_start3A_779] : memref<10240x16xf32, #tpu.memory_space<vmem_shared>> -> memref<640x16xf32, #tpu.memory_space<vmem_shared>>
      %dma_start3A_781 = arith.constant 0 : i32
      %dma_start3A_782 = tpu.memref_slice %arg6[%mul3A_2, %dma_start3A_781] : memref<10240x16xf32, #tpu.memory_space<hbm>> -> memref<640x16xf32, #tpu.memory_space<hbm>>
      tpu.enqueue_dma source(%dma_start3A_782 : memref<640x16xf32, #tpu.memory_space<hbm>>) target(%dma_start3A_780 : memref<640x16xf32, #tpu.memory_space<vmem_shared>>) target_semaphore(%run_scoped3A : memref<!tpu.dma_semaphore, #tpu.memory_space<semaphore_mem>>)
      %dma_wait3A_783 = arith.constant 0 : i32
      %dma_wait3A_784 = tpu.memref_slice %arg12[%mul3A_2, %dma_wait3A_783] : memref<10240x16xf32, #tpu.memory_space<vmem_shared>> -> memref<640x16xf32, #tpu.memory_space<vmem_shared>>
      %dma_wait3A_785 = arith.constant 0 : i32
      %dma_wait3A_786 = tpu.memref_slice %arg6[%mul3A_2, %dma_wait3A_785] : memref<10240x16xf32, #tpu.memory_space<hbm>> -> memref<640x16xf32, #tpu.memory_space<hbm>>
      tpu.wait_dma2 semaphore(%run_scoped3A : memref<!tpu.dma_semaphore, #tpu.memory_space<semaphore_mem>>) src(%dma_wait3A_786 : memref<640x16xf32, #tpu.memory_space<hbm>>) dst(%dma_wait3A_784 : memref<640x16xf32, #tpu.memory_space<vmem_shared>>)
      tpu.yield
    }) : () -> ()
    %broadcast_in_dim3A = arith.constant 1.000000e+00 : f32
    %broadcast_in_dim3A_19 = vector.broadcast %broadcast_in_dim3A : f32 to vector<16xf32>
    %swap3A = arith.constant 0 : i32
    %swap3A_20 = arith.index_cast %swap3A : i32 to index
    %swap3A_21 = arith.constant 0 : index
    %swap3A_22 = tpu.vector_load %arg19[%swap3A_20, %swap3A_21] {strides = array<i32>} : memref<80x16xf32, #tpu.memory_space<vmem>>, vector<1x16xf32>,
    %swap3A_23 = vector.shape_cast %swap3A_22 : vector<1x16xf32> to vector<16xf32>
    %swap3A_24 = vector.shape_cast %broadcast_in_dim3A_19 : vector<16xf32> to vector<1x16xf32>
    tpu.vector_store %arg19[%swap3A_20, %swap3A_21], %swap3A_24 {strides = array<i32>} : memref<80x16xf32, #tpu.memory_space<vmem>>, vector<1x16xf32>,
    %swap3A_25 = arith.constant 1 : i32
    %swap3A_26 = arith.index_cast %swap3A_25 : i32 to index
    %swap3A_27 = arith.constant 0 : index
    %swap3A_28 = tpu.vector_load %arg19[%swap3A_26, %swap3A_27] {strides = array<i32>} : memref<80x16xf32, #tpu.memory_space<vmem>>, vector<1x16xf32>,
    %swap3A_29 = vector.shape_cast %swap3A_28 : vector<1x16xf32> to vector<16xf32>
    %swap3A_30 = vector.shape_cast %broadcast_in_dim3A_19 : vector<16xf32> to vector<1x16xf32>
    tpu.vector_store %arg19[%swap3A_26, %swap3A_27], %swap3A_30 {strides = array<i32>} : memref<80x16xf32, #tpu.memory_space<vmem>>, vector<1x16xf32>,
    %swap3A_31 = arith.constant 2 : i32
    %swap3A_32 = arith.index_cast %swap3A_31 : i32 to index
    %swap3A_33 = arith.constant 0 : index
    %swap3A_34 = tpu.vector_load %arg19[%swap3A_32, %swap3A_33] {strides = array<i32>} : memref<80x16xf32, #tpu.memory_space<vmem>>, vector<1x16xf32>,
    %swap3A_35 = vector.shape_cast %swap3A_34 : vector<1x16xf32> to vector<16xf32>
    %swap3A_36 = vector.shape_cast %broadcast_in_dim3A_19 : vector<16xf32> to vector<1x16xf32>
    tpu.vector_store %arg19[%swap3A_32, %swap3A_33], %swap3A_36 {strides = array<i32>} : memref<80x16xf32, #tpu.memory_space<vmem>>, vector<1x16xf32>,
    %swap3A_37 = arith.constant 3 : i32
    %swap3A_38 = arith.index_cast %swap3A_37 : i32 to index
    %swap3A_39 = arith.constant 0 : index
    %swap3A_40 = tpu.vector_load %arg19[%swap3A_38, %swap3A_39] {strides = array<i32>} : memref<80x16xf32, #tpu.memory_space<vmem>>, vector<1x16xf32>,
    %swap3A_41 = vector.shape_cast %swap3A_40 : vector<1x16xf32> to vector<16xf32>
    %swap3A_42 = vector.shape_cast %broadcast_in_dim3A_19 : vector<16xf32> to vector<1x16xf32>
    tpu.vector_store %arg19[%swap3A_38, %swap3A_39], %swap3A_42 {strides = array<i32>} : memref<80x16xf32, #tpu.memory_space<vmem>>, vector<1x16xf32>,
    %swap3A_43 = arith.constant 4 : i32
    %swap3A_44 = arith.index_cast %swap3A_43 : i32 to index
    %swap3A_45 = arith.constant 0 : index
    %swap3A_46 = tpu.vector_load %arg19[%swap3A_44, %swap3A_45] {strides = array<i32>} : memref<80x16xf32, #tpu.memory_space<vmem>>, vector<1x16xf32>,
    %swap3A_47 = vector.shape_cast %swap3A_46 : vector<1x16xf32> to vector<16xf32>
    %swap3A_48 = vector.shape_cast %broadcast_in_dim3A_19 : vector<16xf32> to vector<1x16xf32>
    tpu.vector_store %arg19[%swap3A_44, %swap3A_45], %swap3A_48 {strides = array<i32>} : memref<80x16xf32, #tpu.memory_space<vmem>>, vector<1x16xf32>,
    %swap3A_49 = arith.constant 5 : i32
    %swap3A_50 = arith.index_cast %swap3A_49 : i32 to index
    %swap3A_51 = arith.constant 0 : index
    %swap3A_52 = tpu.vector_load %arg19[%swap3A_50, %swap3A_51] {strides = array<i32>} : memref<80x16xf32, #tpu.memory_space<vmem>>, vector<1x16xf32>,
    %swap3A_53 = vector.shape_cast %swap3A_52 : vector<1x16xf32> to vector<16xf32>
    %swap3A_54 = vector.shape_cast %broadcast_in_dim3A_19 : vector<16xf32> to vector<1x16xf32>
    tpu.vector_store %arg19[%swap3A_50, %swap3A_51], %swap3A_54 {strides = array<i32>} : memref<80x16xf32, #tpu.memory_space<vmem>>, vector<1x16xf32>,
    %swap3A_55 = arith.constant 6 : i32
    %swap3A_56 = arith.index_cast %swap3A_55 : i32 to index
    %swap3A_57 = arith.constant 0 : index
    %swap3A_58 = tpu.vector_load %arg19[%swap3A_56, %swap3A_57] {strides = array<i32>} : memref<80x16xf32, #tpu.memory_space<vmem>>, vector<1x16xf32>,
    %swap3A_59 = vector.shape_cast %swap3A_58 : vector<1x16xf32> to vector<16xf32>
    %swap3A_60 = vector.shape_cast %broadcast_in_dim3A_19 : vector<16xf32> to vector<1x16xf32>
    tpu.vector_store %arg19[%swap3A_56, %swap3A_57], %swap3A_60 {strides = array<i32>} : memref<80x16xf32, #tpu.memory_space<vmem>>, vector<1x16xf32>,
    %swap3A_61 = arith.constant 7 : i32
    %swap3A_62 = arith.index_cast %swap3A_61 : i32 to index
    %swap3A_63 = arith.constant 0 : index
    %swap3A_64 = tpu.vector_load %arg19[%swap3A_62, %swap3A_63] {strides = array<i32>} : memref<80x16xf32, #tpu.memory_space<vmem>>, vector<1x16xf32>,
    %swap3A_65 = vector.shape_cast %swap3A_64 : vector<1x16xf32> to vector<16xf32>
    %swap3A_66 = vector.shape_cast %broadcast_in_dim3A_19 : vector<16xf32> to vector<1x16xf32>
    tpu.vector_store %arg19[%swap3A_62, %swap3A_63], %swap3A_66 {strides = array<i32>} : memref<80x16xf32, #tpu.memory_space<vmem>>, vector<1x16xf32>,
    %swap3A_67 = arith.constant 8 : i32
    %swap3A_68 = arith.index_cast %swap3A_67 : i32 to index
    %swap3A_69 = arith.constant 0 : index
    %swap3A_70 = tpu.vector_load %arg19[%swap3A_68, %swap3A_69] {strides = array<i32>} : memref<80x16xf32, #tpu.memory_space<vmem>>, vector<1x16xf32>,
    %swap3A_71 = vector.shape_cast %swap3A_70 : vector<1x16xf32> to vector<16xf32>
    %swap3A_72 = vector.shape_cast %broadcast_in_dim3A_19 : vector<16xf32> to vector<1x16xf32>
    tpu.vector_store %arg19[%swap3A_68, %swap3A_69], %swap3A_72 {strides = array<i32>} : memref<80x16xf32, #tpu.memory_space<vmem>>, vector<1x16xf32>,
    %swap3A_73 = arith.constant 9 : i32
    %swap3A_74 = arith.index_cast %swap3A_73 : i32 to index
    %swap3A_75 = arith.constant 0 : index
    %swap3A_76 = tpu.vector_load %arg19[%swap3A_74, %swap3A_75] {strides = array<i32>} : memref<80x16xf32, #tpu.memory_space<vmem>>, vector<1x16xf32>,
    %swap3A_77 = vector.shape_cast %swap3A_76 : vector<1x16xf32> to vector<16xf32>
    %swap3A_78 = vector.shape_cast %broadcast_in_dim3A_19 : vector<16xf32> to vector<1x16xf32>
    tpu.vector_store %arg19[%swap3A_74, %swap3A_75], %swap3A_78 {strides = array<i32>} : memref<80x16xf32, #tpu.memory_space<vmem>>, vector<1x16xf32>,
    %swap3A_79 = arith.constant 10 : i32
    %swap3A_80 = arith.index_cast %swap3A_79 : i32 to index
    %swap3A_81 = arith.constant 0 : index
    %swap3A_82 = tpu.vector_load %arg19[%swap3A_80, %swap3A_81] {strides = array<i32>} : memref<80x16xf32, #tpu.memory_space<vmem>>, vector<1x16xf32>,
    %swap3A_83 = vector.shape_cast %swap3A_82 : vector<1x16xf32> to vector<16xf32>
    %swap3A_84 = vector.shape_cast %broadcast_in_dim3A_19 : vector<16xf32> to vector<1x16xf32>
    tpu.vector_store %arg19[%swap3A_80, %swap3A_81], %swap3A_84 {strides = array<i32>} : memref<80x16xf32, #tpu.memory_space<vmem>>, vector<1x16xf32>,
    %swap3A_85 = arith.constant 11 : i32
    %swap3A_86 = arith.index_cast %swap3A_85 : i32 to index
    %swap3A_87 = arith.constant 0 : index
    %swap3A_88 = tpu.vector_load %arg19[%swap3A_86, %swap3A_87] {strides = array<i32>} : memref<80x16xf32, #tpu.memory_space<vmem>>, vector<1x16xf32>,
    %swap3A_89 = vector.shape_cast %swap3A_88 : vector<1x16xf32> to vector<16xf32>
    %swap3A_90 = vector.shape_cast %broadcast_in_dim3A_19 : vector<16xf32> to vector<1x16xf32>
    tpu.vector_store %arg19[%swap3A_86, %swap3A_87], %swap3A_90 {strides = array<i32>} : memref<80x16xf32, #tpu.memory_space<vmem>>, vector<1x16xf32>,
    %swap3A_91 = arith.constant 12 : i32
    %swap3A_92 = arith.index_cast %swap3A_91 : i32 to index
    %swap3A_93 = arith.constant 0 : index
    %swap3A_94 = tpu.vector_load %arg19[%swap3A_92, %swap3A_93] {strides = array<i32>} : memref<80x16xf32, #tpu.memory_space<vmem>>, vector<1x16xf32>,
    %swap3A_95 = vector.shape_cast %swap3A_94 : vector<1x16xf32> to vector<16xf32>
    %swap3A_96 = vector.shape_cast %broadcast_in_dim3A_19 : vector<16xf32> to vector<1x16xf32>
    tpu.vector_store %arg19[%swap3A_92, %swap3A_93], %swap3A_96 {strides = array<i32>} : memref<80x16xf32, #tpu.memory_space<vmem>>, vector<1x16xf32>,
    %swap3A_97 = arith.constant 13 : i32
    %swap3A_98 = arith.index_cast %swap3A_97 : i32 to index
    %swap3A_99 = arith.constant 0 : index
    %swap3A_100 = tpu.vector_load %arg19[%swap3A_98, %swap3A_99] {strides = array<i32>} : memref<80x16xf32, #tpu.memory_space<vmem>>, vector<1x16xf32>,
    %swap3A_101 = vector.shape_cast %swap3A_100 : vector<1x16xf32> to vector<16xf32>
    %swap3A_102 = vector.shape_cast %broadcast_in_dim3A_19 : vector<16xf32> to vector<1x16xf32>
    tpu.vector_store %arg19[%swap3A_98, %swap3A_99], %swap3A_102 {strides = array<i32>} : memref<80x16xf32, #tpu.memory_space<vmem>>, vector<1x16xf32>,
    %swap3A_103 = arith.constant 14 : i32
    %swap3A_104 = arith.index_cast %swap3A_103 : i32 to index
    %swap3A_105 = arith.constant 0 : index
    %swap3A_106 = tpu.vector_load %arg19[%swap3A_104, %swap3A_105] {strides = array<i32>} : memref<80x16xf32, #tpu.memory_space<vmem>>, vector<1x16xf32>,
    %swap3A_107 = vector.shape_cast %swap3A_106 : vector<1x16xf32> to vector<16xf32>
    %swap3A_108 = vector.shape_cast %broadcast_in_dim3A_19 : vector<16xf32> to vector<1x16xf32>
    tpu.vector_store %arg19[%swap3A_104, %swap3A_105], %swap3A_108 {strides = array<i32>} : memref<80x16xf32, #tpu.memory_space<vmem>>, vector<1x16xf32>,
    %swap3A_109 = arith.constant 15 : i32
    %swap3A_110 = arith.index_cast %swap3A_109 : i32 to index
    %swap3A_111 = arith.constant 0 : index
    %swap3A_112 = tpu.vector_load %arg19[%swap3A_110, %swap3A_111] {strides = array<i32>} : memref<80x16xf32, #tpu.memory_space<vmem>>, vector<1x16xf32>,
    %swap3A_113 = vector.shape_cast %swap3A_112 : vector<1x16xf32> to vector<16xf32>
    %swap3A_114 = vector.shape_cast %broadcast_in_dim3A_19 : vector<16xf32> to vector<1x16xf32>
    tpu.vector_store %arg19[%swap3A_110, %swap3A_111], %swap3A_114 {strides = array<i32>} : memref<80x16xf32, #tpu.memory_space<vmem>>, vector<1x16xf32>,
    %swap3A_115 = arith.constant 16 : i32
    %swap3A_116 = arith.index_cast %swap3A_115 : i32 to index
    %swap3A_117 = arith.constant 0 : index
    %swap3A_118 = tpu.vector_load %arg19[%swap3A_116, %swap3A_117] {strides = array<i32>} : memref<80x16xf32, #tpu.memory_space<vmem>>, vector<1x16xf32>,
    %swap3A_119 = vector.shape_cast %swap3A_118 : vector<1x16xf32> to vector<16xf32>
    %swap3A_120 = vector.shape_cast %broadcast_in_dim3A_19 : vector<16xf32> to vector<1x16xf32>
    tpu.vector_store %arg19[%swap3A_116, %swap3A_117], %swap3A_120 {strides = array<i32>} : memref<80x16xf32, #tpu.memory_space<vmem>>, vector<1x16xf32>,
    %swap3A_121 = arith.constant 17 : i32
    %swap3A_122 = arith.index_cast %swap3A_121 : i32 to index
    %swap3A_123 = arith.constant 0 : index
    %swap3A_124 = tpu.vector_load %arg19[%swap3A_122, %swap3A_123] {strides = array<i32>} : memref<80x16xf32, #tpu.memory_space<vmem>>, vector<1x16xf32>,
    %swap3A_125 = vector.shape_cast %swap3A_124 : vector<1x16xf32> to vector<16xf32>
    %swap3A_126 = vector.shape_cast %broadcast_in_dim3A_19 : vector<16xf32> to vector<1x16xf32>
    tpu.vector_store %arg19[%swap3A_122, %swap3A_123], %swap3A_126 {strides = array<i32>} : memref<80x16xf32, #tpu.memory_space<vmem>>, vector<1x16xf32>,
    %swap3A_127 = arith.constant 18 : i32
    %swap3A_128 = arith.index_cast %swap3A_127 : i32 to index
    %swap3A_129 = arith.constant 0 : index
    %swap3A_130 = tpu.vector_load %arg19[%swap3A_128, %swap3A_129] {strides = array<i32>} : memref<80x16xf32, #tpu.memory_space<vmem>>, vector<1x16xf32>,
    %swap3A_131 = vector.shape_cast %swap3A_130 : vector<1x16xf32> to vector<16xf32>
    %swap3A_132 = vector.shape_cast %broadcast_in_dim3A_19 : vector<16xf32> to vector<1x16xf32>
    tpu.vector_store %arg19[%swap3A_128, %swap3A_129], %swap3A_132 {strides = array<i32>} : memref<80x16xf32, #tpu.memory_space<vmem>>, vector<1x16xf32>,
    %swap3A_133 = arith.constant 19 : i32
    %swap3A_134 = arith.index_cast %swap3A_133 : i32 to index
    %swap3A_135 = arith.constant 0 : index
    %swap3A_136 = tpu.vector_load %arg19[%swap3A_134, %swap3A_135] {strides = array<i32>} : memref<80x16xf32, #tpu.memory_space<vmem>>, vector<1x16xf32>,
    %swap3A_137 = vector.shape_cast %swap3A_136 : vector<1x16xf32> to vector<16xf32>
    %swap3A_138 = vector.shape_cast %broadcast_in_dim3A_19 : vector<16xf32> to vector<1x16xf32>
    tpu.vector_store %arg19[%swap3A_134, %swap3A_135], %swap3A_138 {strides = array<i32>} : memref<80x16xf32, #tpu.memory_space<vmem>>, vector<1x16xf32>,
    %swap3A_139 = arith.constant 20 : i32
    %swap3A_140 = arith.index_cast %swap3A_139 : i32 to index
    %swap3A_141 = arith.constant 0 : index
    %swap3A_142 = tpu.vector_load %arg19[%swap3A_140, %swap3A_141] {strides = array<i32>} : memref<80x16xf32, #tpu.memory_space<vmem>>, vector<1x16xf32>,
    %swap3A_143 = vector.shape_cast %swap3A_142 : vector<1x16xf32> to vector<16xf32>
    %swap3A_144 = vector.shape_cast %broadcast_in_dim3A_19 : vector<16xf32> to vector<1x16xf32>
    tpu.vector_store %arg19[%swap3A_140, %swap3A_141], %swap3A_144 {strides = array<i32>} : memref<80x16xf32, #tpu.memory_space<vmem>>, vector<1x16xf32>,
    %swap3A_145 = arith.constant 21 : i32
    %swap3A_146 = arith.index_cast %swap3A_145 : i32 to index
    %swap3A_147 = arith.constant 0 : index
    %swap3A_148 = tpu.vector_load %arg19[%swap3A_146, %swap3A_147] {strides = array<i32>} : memref<80x16xf32, #tpu.memory_space<vmem>>, vector<1x16xf32>,
    %swap3A_149 = vector.shape_cast %swap3A_148 : vector<1x16xf32> to vector<16xf32>
    %swap3A_150 = vector.shape_cast %broadcast_in_dim3A_19 : vector<16xf32> to vector<1x16xf32>
    tpu.vector_store %arg19[%swap3A_146, %swap3A_147], %swap3A_150 {strides = array<i32>} : memref<80x16xf32, #tpu.memory_space<vmem>>, vector<1x16xf32>,
    %swap3A_151 = arith.constant 22 : i32
    %swap3A_152 = arith.index_cast %swap3A_151 : i32 to index
    %swap3A_153 = arith.constant 0 : index
    %swap3A_154 = tpu.vector_load %arg19[%swap3A_152, %swap3A_153] {strides = array<i32>} : memref<80x16xf32, #tpu.memory_space<vmem>>, vector<1x16xf32>,
    %swap3A_155 = vector.shape_cast %swap3A_154 : vector<1x16xf32> to vector<16xf32>
    %swap3A_156 = vector.shape_cast %broadcast_in_dim3A_19 : vector<16xf32> to vector<1x16xf32>
    tpu.vector_store %arg19[%swap3A_152, %swap3A_153], %swap3A_156 {strides = array<i32>} : memref<80x16xf32, #tpu.memory_space<vmem>>, vector<1x16xf32>,
    %swap3A_157 = arith.constant 23 : i32
    %swap3A_158 = arith.index_cast %swap3A_157 : i32 to index
    %swap3A_159 = arith.constant 0 : index
    %swap3A_160 = tpu.vector_load %arg19[%swap3A_158, %swap3A_159] {strides = array<i32>} : memref<80x16xf32, #tpu.memory_space<vmem>>, vector<1x16xf32>,
    %swap3A_161 = vector.shape_cast %swap3A_160 : vector<1x16xf32> to vector<16xf32>
    %swap3A_162 = vector.shape_cast %broadcast_in_dim3A_19 : vector<16xf32> to vector<1x16xf32>
    tpu.vector_store %arg19[%swap3A_158, %swap3A_159], %swap3A_162 {strides = array<i32>} : memref<80x16xf32, #tpu.memory_space<vmem>>, vector<1x16xf32>,
    %swap3A_163 = arith.constant 24 : i32
    %swap3A_164 = arith.index_cast %swap3A_163 : i32 to index
    %swap3A_165 = arith.constant 0 : index
    %swap3A_166 = tpu.vector_load %arg19[%swap3A_164, %swap3A_165] {strides = array<i32>} : memref<80x16xf32, #tpu.memory_space<vmem>>, vector<1x16xf32>,
    %swap3A_167 = vector.shape_cast %swap3A_166 : vector<1x16xf32> to vector<16xf32>
    %swap3A_168 = vector.shape_cast %broadcast_in_dim3A_19 : vector<16xf32> to vector<1x16xf32>
    tpu.vector_store %arg19[%swap3A_164, %swap3A_165], %swap3A_168 {strides = array<i32>} : memref<80x16xf32, #tpu.memory_space<vmem>>, vector<1x16xf32>,
    %swap3A_169 = arith.constant 25 : i32
    %swap3A_170 = arith.index_cast %swap3A_169 : i32 to index
    %swap3A_171 = arith.constant 0 : index
    %swap3A_172 = tpu.vector_load %arg19[%swap3A_170, %swap3A_171] {strides = array<i32>} : memref<80x16xf32, #tpu.memory_space<vmem>>, vector<1x16xf32>,
    %swap3A_173 = vector.shape_cast %swap3A_172 : vector<1x16xf32> to vector<16xf32>
    %swap3A_174 = vector.shape_cast %broadcast_in_dim3A_19 : vector<16xf32> to vector<1x16xf32>
    tpu.vector_store %arg19[%swap3A_170, %swap3A_171], %swap3A_174 {strides = array<i32>} : memref<80x16xf32, #tpu.memory_space<vmem>>, vector<1x16xf32>,
    %swap3A_175 = arith.constant 26 : i32
    %swap3A_176 = arith.index_cast %swap3A_175 : i32 to index
    %swap3A_177 = arith.constant 0 : index
    %swap3A_178 = tpu.vector_load %arg19[%swap3A_176, %swap3A_177] {strides = array<i32>} : memref<80x16xf32, #tpu.memory_space<vmem>>, vector<1x16xf32>,
    %swap3A_179 = vector.shape_cast %swap3A_178 : vector<1x16xf32> to vector<16xf32>
    %swap3A_180 = vector.shape_cast %broadcast_in_dim3A_19 : vector<16xf32> to vector<1x16xf32>
    tpu.vector_store %arg19[%swap3A_176, %swap3A_177], %swap3A_180 {strides = array<i32>} : memref<80x16xf32, #tpu.memory_space<vmem>>, vector<1x16xf32>,
    %swap3A_181 = arith.constant 27 : i32
    %swap3A_182 = arith.index_cast %swap3A_181 : i32 to index
    %swap3A_183 = arith.constant 0 : index
    %swap3A_184 = tpu.vector_load %arg19[%swap3A_182, %swap3A_183] {strides = array<i32>} : memref<80x16xf32, #tpu.memory_space<vmem>>, vector<1x16xf32>,
    %swap3A_185 = vector.shape_cast %swap3A_184 : vector<1x16xf32> to vector<16xf32>
    %swap3A_186 = vector.shape_cast %broadcast_in_dim3A_19 : vector<16xf32> to vector<1x16xf32>
    tpu.vector_store %arg19[%swap3A_182, %swap3A_183], %swap3A_186 {strides = array<i32>} : memref<80x16xf32, #tpu.memory_space<vmem>>, vector<1x16xf32>,
    %swap3A_187 = arith.constant 28 : i32
    %swap3A_188 = arith.index_cast %swap3A_187 : i32 to index
    %swap3A_189 = arith.constant 0 : index
    %swap3A_190 = tpu.vector_load %arg19[%swap3A_188, %swap3A_189] {strides = array<i32>} : memref<80x16xf32, #tpu.memory_space<vmem>>, vector<1x16xf32>,
    %swap3A_191 = vector.shape_cast %swap3A_190 : vector<1x16xf32> to vector<16xf32>
    %swap3A_192 = vector.shape_cast %broadcast_in_dim3A_19 : vector<16xf32> to vector<1x16xf32>
    tpu.vector_store %arg19[%swap3A_188, %swap3A_189], %swap3A_192 {strides = array<i32>} : memref<80x16xf32, #tpu.memory_space<vmem>>, vector<1x16xf32>,
    %swap3A_193 = arith.constant 29 : i32
    %swap3A_194 = arith.index_cast %swap3A_193 : i32 to index
    %swap3A_195 = arith.constant 0 : index
    %swap3A_196 = tpu.vector_load %arg19[%swap3A_194, %swap3A_195] {strides = array<i32>} : memref<80x16xf32, #tpu.memory_space<vmem>>, vector<1x16xf32>,
    %swap3A_197 = vector.shape_cast %swap3A_196 : vector<1x16xf32> to vector<16xf32>
    %swap3A_198 = vector.shape_cast %broadcast_in_dim3A_19 : vector<16xf32> to vector<1x16xf32>
    tpu.vector_store %arg19[%swap3A_194, %swap3A_195], %swap3A_198 {strides = array<i32>} : memref<80x16xf32, #tpu.memory_space<vmem>>, vector<1x16xf32>,
    %swap3A_199 = arith.constant 30 : i32
    %swap3A_200 = arith.index_cast %swap3A_199 : i32 to index
    %swap3A_201 = arith.constant 0 : index
    %swap3A_202 = tpu.vector_load %arg19[%swap3A_200, %swap3A_201] {strides = array<i32>} : memref<80x16xf32, #tpu.memory_space<vmem>>, vector<1x16xf32>,
    %swap3A_203 = vector.shape_cast %swap3A_202 : vector<1x16xf32> to vector<16xf32>
    %swap3A_204 = vector.shape_cast %broadcast_in_dim3A_19 : vector<16xf32> to vector<1x16xf32>
    tpu.vector_store %arg19[%swap3A_200, %swap3A_201], %swap3A_204 {strides = array<i32>} : memref<80x16xf32, #tpu.memory_space<vmem>>, vector<1x16xf32>,
    %swap3A_205 = arith.constant 31 : i32
    %swap3A_206 = arith.index_cast %swap3A_205 : i32 to index
    %swap3A_207 = arith.constant 0 : index
    %swap3A_208 = tpu.vector_load %arg19[%swap3A_206, %swap3A_207] {strides = array<i32>} : memref<80x16xf32, #tpu.memory_space<vmem>>, vector<1x16xf32>,
    %swap3A_209 = vector.shape_cast %swap3A_208 : vector<1x16xf32> to vector<16xf32>
    %swap3A_210 = vector.shape_cast %broadcast_in_dim3A_19 : vector<16xf32> to vector<1x16xf32>
    tpu.vector_store %arg19[%swap3A_206, %swap3A_207], %swap3A_210 {strides = array<i32>} : memref<80x16xf32, #tpu.memory_space<vmem>>, vector<1x16xf32>,
    %swap3A_211 = arith.constant 32 : i32
    %swap3A_212 = arith.index_cast %swap3A_211 : i32 to index
    %swap3A_213 = arith.constant 0 : index
    %swap3A_214 = tpu.vector_load %arg19[%swap3A_212, %swap3A_213] {strides = array<i32>} : memref<80x16xf32, #tpu.memory_space<vmem>>, vector<1x16xf32>,
    %swap3A_215 = vector.shape_cast %swap3A_214 : vector<1x16xf32> to vector<16xf32>
    %swap3A_216 = vector.shape_cast %broadcast_in_dim3A_19 : vector<16xf32> to vector<1x16xf32>
    tpu.vector_store %arg19[%swap3A_212, %swap3A_213], %swap3A_216 {strides = array<i32>} : memref<80x16xf32, #tpu.memory_space<vmem>>, vector<1x16xf32>,
    %swap3A_217 = arith.constant 33 : i32
    %swap3A_218 = arith.index_cast %swap3A_217 : i32 to index
    %swap3A_219 = arith.constant 0 : index
    %swap3A_220 = tpu.vector_load %arg19[%swap3A_218, %swap3A_219] {strides = array<i32>} : memref<80x16xf32, #tpu.memory_space<vmem>>, vector<1x16xf32>,
    %swap3A_221 = vector.shape_cast %swap3A_220 : vector<1x16xf32> to vector<16xf32>
    %swap3A_222 = vector.shape_cast %broadcast_in_dim3A_19 : vector<16xf32> to vector<1x16xf32>
    tpu.vector_store %arg19[%swap3A_218, %swap3A_219], %swap3A_222 {strides = array<i32>} : memref<80x16xf32, #tpu.memory_space<vmem>>, vector<1x16xf32>,
    %swap3A_223 = arith.constant 34 : i32
    %swap3A_224 = arith.index_cast %swap3A_223 : i32 to index
    %swap3A_225 = arith.constant 0 : index
    %swap3A_226 = tpu.vector_load %arg19[%swap3A_224, %swap3A_225] {strides = array<i32>} : memref<80x16xf32, #tpu.memory_space<vmem>>, vector<1x16xf32>,
    %swap3A_227 = vector.shape_cast %swap3A_226 : vector<1x16xf32> to vector<16xf32>
    %swap3A_228 = vector.shape_cast %broadcast_in_dim3A_19 : vector<16xf32> to vector<1x16xf32>
    tpu.vector_store %arg19[%swap3A_224, %swap3A_225], %swap3A_228 {strides = array<i32>} : memref<80x16xf32, #tpu.memory_space<vmem>>, vector<1x16xf32>,
    %swap3A_229 = arith.constant 35 : i32
    %swap3A_230 = arith.index_cast %swap3A_229 : i32 to index
    %swap3A_231 = arith.constant 0 : index
    %swap3A_232 = tpu.vector_load %arg19[%swap3A_230, %swap3A_231] {strides = array<i32>} : memref<80x16xf32, #tpu.memory_space<vmem>>, vector<1x16xf32>,
    %swap3A_233 = vector.shape_cast %swap3A_232 : vector<1x16xf32> to vector<16xf32>
    %swap3A_234 = vector.shape_cast %broadcast_in_dim3A_19 : vector<16xf32> to vector<1x16xf32>
    tpu.vector_store %arg19[%swap3A_230, %swap3A_231], %swap3A_234 {strides = array<i32>} : memref<80x16xf32, #tpu.memory_space<vmem>>, vector<1x16xf32>,
    %swap3A_235 = arith.constant 36 : i32
    %swap3A_236 = arith.index_cast %swap3A_235 : i32 to index
    %swap3A_237 = arith.constant 0 : index
    %swap3A_238 = tpu.vector_load %arg19[%swap3A_236, %swap3A_237] {strides = array<i32>} : memref<80x16xf32, #tpu.memory_space<vmem>>, vector<1x16xf32>,
    %swap3A_239 = vector.shape_cast %swap3A_238 : vector<1x16xf32> to vector<16xf32>
    %swap3A_240 = vector.shape_cast %broadcast_in_dim3A_19 : vector<16xf32> to vector<1x16xf32>
    tpu.vector_store %arg19[%swap3A_236, %swap3A_237], %swap3A_240 {strides = array<i32>} : memref<80x16xf32, #tpu.memory_space<vmem>>, vector<1x16xf32>,
    %swap3A_241 = arith.constant 37 : i32
    %swap3A_242 = arith.index_cast %swap3A_241 : i32 to index
    %swap3A_243 = arith.constant 0 : index
    %swap3A_244 = tpu.vector_load %arg19[%swap3A_242, %swap3A_243] {strides = array<i32>} : memref<80x16xf32, #tpu.memory_space<vmem>>, vector<1x16xf32>,
    %swap3A_245 = vector.shape_cast %swap3A_244 : vector<1x16xf32> to vector<16xf32>
    %swap3A_246 = vector.shape_cast %broadcast_in_dim3A_19 : vector<16xf32> to vector<1x16xf32>
    tpu.vector_store %arg19[%swap3A_242, %swap3A_243], %swap3A_246 {strides = array<i32>} : memref<80x16xf32, #tpu.memory_space<vmem>>, vector<1x16xf32>,
    %swap3A_247 = arith.constant 38 : i32
    %swap3A_248 = arith.index_cast %swap3A_247 : i32 to index
    %swap3A_249 = arith.constant 0 : index
    %swap3A_250 = tpu.vector_load %arg19[%swap3A_248, %swap3A_249] {strides = array<i32>} : memref<80x16xf32, #tpu.memory_space<vmem>>, vector<1x16xf32>,
    %swap3A_251 = vector.shape_cast %swap3A_250 : vector<1x16xf32> to vector<16xf32>
    %swap3A_252 = vector.shape_cast %broadcast_in_dim3A_19 : vector<16xf32> to vector<1x16xf32>
    tpu.vector_store %arg19[%swap3A_248, %swap3A_249], %swap3A_252 {strides = array<i32>} : memref<80x16xf32, #tpu.memory_space<vmem>>, vector<1x16xf32>,
    %swap3A_253 = arith.constant 39 : i32
    %swap3A_254 = arith.index_cast %swap3A_253 : i32 to index
    %swap3A_255 = arith.constant 0 : index
    %swap3A_256 = tpu.vector_load %arg19[%swap3A_254, %swap3A_255] {strides = array<i32>} : memref<80x16xf32, #tpu.memory_space<vmem>>, vector<1x16xf32>,
    %swap3A_257 = vector.shape_cast %swap3A_256 : vector<1x16xf32> to vector<16xf32>
    %swap3A_258 = vector.shape_cast %broadcast_in_dim3A_19 : vector<16xf32> to vector<1x16xf32>
    tpu.vector_store %arg19[%swap3A_254, %swap3A_255], %swap3A_258 {strides = array<i32>} : memref<80x16xf32, #tpu.memory_space<vmem>>, vector<1x16xf32>,
    %swap3A_259 = arith.constant 40 : i32
    %swap3A_260 = arith.index_cast %swap3A_259 : i32 to index
    %swap3A_261 = arith.constant 0 : index
    %swap3A_262 = tpu.vector_load %arg19[%swap3A_260, %swap3A_261] {strides = array<i32>} : memref<80x16xf32, #tpu.memory_space<vmem>>, vector<1x16xf32>,
    %swap3A_263 = vector.shape_cast %swap3A_262 : vector<1x16xf32> to vector<16xf32>
    %swap3A_264 = vector.shape_cast %broadcast_in_dim3A_19 : vector<16xf32> to vector<1x16xf32>
    tpu.vector_store %arg19[%swap3A_260, %swap3A_261], %swap3A_264 {strides = array<i32>} : memref<80x16xf32, #tpu.memory_space<vmem>>, vector<1x16xf32>,
    %swap3A_265 = arith.constant 41 : i32
    %swap3A_266 = arith.index_cast %swap3A_265 : i32 to index
    %swap3A_267 = arith.constant 0 : index
    %swap3A_268 = tpu.vector_load %arg19[%swap3A_266, %swap3A_267] {strides = array<i32>} : memref<80x16xf32, #tpu.memory_space<vmem>>, vector<1x16xf32>,
    %swap3A_269 = vector.shape_cast %swap3A_268 : vector<1x16xf32> to vector<16xf32>
    %swap3A_270 = vector.shape_cast %broadcast_in_dim3A_19 : vector<16xf32> to vector<1x16xf32>
    tpu.vector_store %arg19[%swap3A_266, %swap3A_267], %swap3A_270 {strides = array<i32>} : memref<80x16xf32, #tpu.memory_space<vmem>>, vector<1x16xf32>,
    %swap3A_271 = arith.constant 42 : i32
    %swap3A_272 = arith.index_cast %swap3A_271 : i32 to index
    %swap3A_273 = arith.constant 0 : index
    %swap3A_274 = tpu.vector_load %arg19[%swap3A_272, %swap3A_273] {strides = array<i32>} : memref<80x16xf32, #tpu.memory_space<vmem>>, vector<1x16xf32>,
    %swap3A_275 = vector.shape_cast %swap3A_274 : vector<1x16xf32> to vector<16xf32>
    %swap3A_276 = vector.shape_cast %broadcast_in_dim3A_19 : vector<16xf32> to vector<1x16xf32>
    tpu.vector_store %arg19[%swap3A_272, %swap3A_273], %swap3A_276 {strides = array<i32>} : memref<80x16xf32, #tpu.memory_space<vmem>>, vector<1x16xf32>,
    %swap3A_277 = arith.constant 43 : i32
    %swap3A_278 = arith.index_cast %swap3A_277 : i32 to index
    %swap3A_279 = arith.constant 0 : index
    %swap3A_280 = tpu.vector_load %arg19[%swap3A_278, %swap3A_279] {strides = array<i32>} : memref<80x16xf32, #tpu.memory_space<vmem>>, vector<1x16xf32>,
    %swap3A_281 = vector.shape_cast %swap3A_280 : vector<1x16xf32> to vector<16xf32>
    %swap3A_282 = vector.shape_cast %broadcast_in_dim3A_19 : vector<16xf32> to vector<1x16xf32>
    tpu.vector_store %arg19[%swap3A_278, %swap3A_279], %swap3A_282 {strides = array<i32>} : memref<80x16xf32, #tpu.memory_space<vmem>>, vector<1x16xf32>,
    %swap3A_283 = arith.constant 44 : i32
    %swap3A_284 = arith.index_cast %swap3A_283 : i32 to index
    %swap3A_285 = arith.constant 0 : index
    %swap3A_286 = tpu.vector_load %arg19[%swap3A_284, %swap3A_285] {strides = array<i32>} : memref<80x16xf32, #tpu.memory_space<vmem>>, vector<1x16xf32>,
    %swap3A_287 = vector.shape_cast %swap3A_286 : vector<1x16xf32> to vector<16xf32>
    %swap3A_288 = vector.shape_cast %broadcast_in_dim3A_19 : vector<16xf32> to vector<1x16xf32>
    tpu.vector_store %arg19[%swap3A_284, %swap3A_285], %swap3A_288 {strides = array<i32>} : memref<80x16xf32, #tpu.memory_space<vmem>>, vector<1x16xf32>,
    %swap3A_289 = arith.constant 45 : i32
    %swap3A_290 = arith.index_cast %swap3A_289 : i32 to index
    %swap3A_291 = arith.constant 0 : index
    %swap3A_292 = tpu.vector_load %arg19[%swap3A_290, %swap3A_291] {strides = array<i32>} : memref<80x16xf32, #tpu.memory_space<vmem>>, vector<1x16xf32>,
    %swap3A_293 = vector.shape_cast %swap3A_292 : vector<1x16xf32> to vector<16xf32>
    %swap3A_294 = vector.shape_cast %broadcast_in_dim3A_19 : vector<16xf32> to vector<1x16xf32>
    tpu.vector_store %arg19[%swap3A_290, %swap3A_291], %swap3A_294 {strides = array<i32>} : memref<80x16xf32, #tpu.memory_space<vmem>>, vector<1x16xf32>,
    %swap3A_295 = arith.constant 46 : i32
    %swap3A_296 = arith.index_cast %swap3A_295 : i32 to index
    %swap3A_297 = arith.constant 0 : index
    %swap3A_298 = tpu.vector_load %arg19[%swap3A_296, %swap3A_297] {strides = array<i32>} : memref<80x16xf32, #tpu.memory_space<vmem>>, vector<1x16xf32>,
    %swap3A_299 = vector.shape_cast %swap3A_298 : vector<1x16xf32> to vector<16xf32>
    %swap3A_300 = vector.shape_cast %broadcast_in_dim3A_19 : vector<16xf32> to vector<1x16xf32>
    tpu.vector_store %arg19[%swap3A_296, %swap3A_297], %swap3A_300 {strides = array<i32>} : memref<80x16xf32, #tpu.memory_space<vmem>>, vector<1x16xf32>,
    %swap3A_301 = arith.constant 47 : i32
    %swap3A_302 = arith.index_cast %swap3A_301 : i32 to index
    %swap3A_303 = arith.constant 0 : index
    %swap3A_304 = tpu.vector_load %arg19[%swap3A_302, %swap3A_303] {strides = array<i32>} : memref<80x16xf32, #tpu.memory_space<vmem>>, vector<1x16xf32>,
    %swap3A_305 = vector.shape_cast %swap3A_304 : vector<1x16xf32> to vector<16xf32>
    %swap3A_306 = vector.shape_cast %broadcast_in_dim3A_19 : vector<16xf32> to vector<1x16xf32>
    tpu.vector_store %arg19[%swap3A_302, %swap3A_303], %swap3A_306 {strides = array<i32>} : memref<80x16xf32, #tpu.memory_space<vmem>>, vector<1x16xf32>,
    %swap3A_307 = arith.constant 48 : i32
    %swap3A_308 = arith.index_cast %swap3A_307 : i32 to index
    %swap3A_309 = arith.constant 0 : index
    %swap3A_310 = tpu.vector_load %arg19[%swap3A_308, %swap3A_309] {strides = array<i32>} : memref<80x16xf32, #tpu.memory_space<vmem>>, vector<1x16xf32>,
    %swap3A_311 = vector.shape_cast %swap3A_310 : vector<1x16xf32> to vector<16xf32>
    %swap3A_312 = vector.shape_cast %broadcast_in_dim3A_19 : vector<16xf32> to vector<1x16xf32>
    tpu.vector_store %arg19[%swap3A_308, %swap3A_309], %swap3A_312 {strides = array<i32>} : memref<80x16xf32, #tpu.memory_space<vmem>>, vector<1x16xf32>,
    %swap3A_313 = arith.constant 49 : i32
    %swap3A_314 = arith.index_cast %swap3A_313 : i32 to index
    %swap3A_315 = arith.constant 0 : index
    %swap3A_316 = tpu.vector_load %arg19[%swap3A_314, %swap3A_315] {strides = array<i32>} : memref<80x16xf32, #tpu.memory_space<vmem>>, vector<1x16xf32>,
    %swap3A_317 = vector.shape_cast %swap3A_316 : vector<1x16xf32> to vector<16xf32>
    %swap3A_318 = vector.shape_cast %broadcast_in_dim3A_19 : vector<16xf32> to vector<1x16xf32>
    tpu.vector_store %arg19[%swap3A_314, %swap3A_315], %swap3A_318 {strides = array<i32>} : memref<80x16xf32, #tpu.memory_space<vmem>>, vector<1x16xf32>,
    %swap3A_319 = arith.constant 50 : i32
    %swap3A_320 = arith.index_cast %swap3A_319 : i32 to index
    %swap3A_321 = arith.constant 0 : index
    %swap3A_322 = tpu.vector_load %arg19[%swap3A_320, %swap3A_321] {strides = array<i32>} : memref<80x16xf32, #tpu.memory_space<vmem>>, vector<1x16xf32>,
    %swap3A_323 = vector.shape_cast %swap3A_322 : vector<1x16xf32> to vector<16xf32>
    %swap3A_324 = vector.shape_cast %broadcast_in_dim3A_19 : vector<16xf32> to vector<1x16xf32>
    tpu.vector_store %arg19[%swap3A_320, %swap3A_321], %swap3A_324 {strides = array<i32>} : memref<80x16xf32, #tpu.memory_space<vmem>>, vector<1x16xf32>,
    %swap3A_325 = arith.constant 51 : i32
    %swap3A_326 = arith.index_cast %swap3A_325 : i32 to index
    %swap3A_327 = arith.constant 0 : index
    %swap3A_328 = tpu.vector_load %arg19[%swap3A_326, %swap3A_327] {strides = array<i32>} : memref<80x16xf32, #tpu.memory_space<vmem>>, vector<1x16xf32>,
    %swap3A_329 = vector.shape_cast %swap3A_328 : vector<1x16xf32> to vector<16xf32>
    %swap3A_330 = vector.shape_cast %broadcast_in_dim3A_19 : vector<16xf32> to vector<1x16xf32>
    tpu.vector_store %arg19[%swap3A_326, %swap3A_327], %swap3A_330 {strides = array<i32>} : memref<80x16xf32, #tpu.memory_space<vmem>>, vector<1x16xf32>,
    %swap3A_331 = arith.constant 52 : i32
    %swap3A_332 = arith.index_cast %swap3A_331 : i32 to index
    %swap3A_333 = arith.constant 0 : index
    %swap3A_334 = tpu.vector_load %arg19[%swap3A_332, %swap3A_333] {strides = array<i32>} : memref<80x16xf32, #tpu.memory_space<vmem>>, vector<1x16xf32>,
    %swap3A_335 = vector.shape_cast %swap3A_334 : vector<1x16xf32> to vector<16xf32>
    %swap3A_336 = vector.shape_cast %broadcast_in_dim3A_19 : vector<16xf32> to vector<1x16xf32>
    tpu.vector_store %arg19[%swap3A_332, %swap3A_333], %swap3A_336 {strides = array<i32>} : memref<80x16xf32, #tpu.memory_space<vmem>>, vector<1x16xf32>,
    %swap3A_337 = arith.constant 53 : i32
    %swap3A_338 = arith.index_cast %swap3A_337 : i32 to index
    %swap3A_339 = arith.constant 0 : index
    %swap3A_340 = tpu.vector_load %arg19[%swap3A_338, %swap3A_339] {strides = array<i32>} : memref<80x16xf32, #tpu.memory_space<vmem>>, vector<1x16xf32>,
    %swap3A_341 = vector.shape_cast %swap3A_340 : vector<1x16xf32> to vector<16xf32>
    %swap3A_342 = vector.shape_cast %broadcast_in_dim3A_19 : vector<16xf32> to vector<1x16xf32>
    tpu.vector_store %arg19[%swap3A_338, %swap3A_339], %swap3A_342 {strides = array<i32>} : memref<80x16xf32, #tpu.memory_space<vmem>>, vector<1x16xf32>,
    %swap3A_343 = arith.constant 54 : i32
    %swap3A_344 = arith.index_cast %swap3A_343 : i32 to index
    %swap3A_345 = arith.constant 0 : index
    %swap3A_346 = tpu.vector_load %arg19[%swap3A_344, %swap3A_345] {strides = array<i32>} : memref<80x16xf32, #tpu.memory_space<vmem>>, vector<1x16xf32>,
    %swap3A_347 = vector.shape_cast %swap3A_346 : vector<1x16xf32> to vector<16xf32>
    %swap3A_348 = vector.shape_cast %broadcast_in_dim3A_19 : vector<16xf32> to vector<1x16xf32>
    tpu.vector_store %arg19[%swap3A_344, %swap3A_345], %swap3A_348 {strides = array<i32>} : memref<80x16xf32, #tpu.memory_space<vmem>>, vector<1x16xf32>,
    %swap3A_349 = arith.constant 55 : i32
    %swap3A_350 = arith.index_cast %swap3A_349 : i32 to index
    %swap3A_351 = arith.constant 0 : index
    %swap3A_352 = tpu.vector_load %arg19[%swap3A_350, %swap3A_351] {strides = array<i32>} : memref<80x16xf32, #tpu.memory_space<vmem>>, vector<1x16xf32>,
    %swap3A_353 = vector.shape_cast %swap3A_352 : vector<1x16xf32> to vector<16xf32>
    %swap3A_354 = vector.shape_cast %broadcast_in_dim3A_19 : vector<16xf32> to vector<1x16xf32>
    tpu.vector_store %arg19[%swap3A_350, %swap3A_351], %swap3A_354 {strides = array<i32>} : memref<80x16xf32, #tpu.memory_space<vmem>>, vector<1x16xf32>,
    %swap3A_355 = arith.constant 56 : i32
    %swap3A_356 = arith.index_cast %swap3A_355 : i32 to index
    %swap3A_357 = arith.constant 0 : index
    %swap3A_358 = tpu.vector_load %arg19[%swap3A_356, %swap3A_357] {strides = array<i32>} : memref<80x16xf32, #tpu.memory_space<vmem>>, vector<1x16xf32>,
    %swap3A_359 = vector.shape_cast %swap3A_358 : vector<1x16xf32> to vector<16xf32>
    %swap3A_360 = vector.shape_cast %broadcast_in_dim3A_19 : vector<16xf32> to vector<1x16xf32>
    tpu.vector_store %arg19[%swap3A_356, %swap3A_357], %swap3A_360 {strides = array<i32>} : memref<80x16xf32, #tpu.memory_space<vmem>>, vector<1x16xf32>,
    %swap3A_361 = arith.constant 57 : i32
    %swap3A_362 = arith.index_cast %swap3A_361 : i32 to index
    %swap3A_363 = arith.constant 0 : index
    %swap3A_364 = tpu.vector_load %arg19[%swap3A_362, %swap3A_363] {strides = array<i32>} : memref<80x16xf32, #tpu.memory_space<vmem>>, vector<1x16xf32>,
    %swap3A_365 = vector.shape_cast %swap3A_364 : vector<1x16xf32> to vector<16xf32>
    %swap3A_366 = vector.shape_cast %broadcast_in_dim3A_19 : vector<16xf32> to vector<1x16xf32>
    tpu.vector_store %arg19[%swap3A_362, %swap3A_363], %swap3A_366 {strides = array<i32>} : memref<80x16xf32, #tpu.memory_space<vmem>>, vector<1x16xf32>,
    %swap3A_367 = arith.constant 58 : i32
    %swap3A_368 = arith.index_cast %swap3A_367 : i32 to index
    %swap3A_369 = arith.constant 0 : index
    %swap3A_370 = tpu.vector_load %arg19[%swap3A_368, %swap3A_369] {strides = array<i32>} : memref<80x16xf32, #tpu.memory_space<vmem>>, vector<1x16xf32>,
    %swap3A_371 = vector.shape_cast %swap3A_370 : vector<1x16xf32> to vector<16xf32>
    %swap3A_372 = vector.shape_cast %broadcast_in_dim3A_19 : vector<16xf32> to vector<1x16xf32>
    tpu.vector_store %arg19[%swap3A_368, %swap3A_369], %swap3A_372 {strides = array<i32>} : memref<80x16xf32, #tpu.memory_space<vmem>>, vector<1x16xf32>,
    %swap3A_373 = arith.constant 59 : i32
    %swap3A_374 = arith.index_cast %swap3A_373 : i32 to index
    %swap3A_375 = arith.constant 0 : index
    %swap3A_376 = tpu.vector_load %arg19[%swap3A_374, %swap3A_375] {strides = array<i32>} : memref<80x16xf32, #tpu.memory_space<vmem>>, vector<1x16xf32>,
    %swap3A_377 = vector.shape_cast %swap3A_376 : vector<1x16xf32> to vector<16xf32>
    %swap3A_378 = vector.shape_cast %broadcast_in_dim3A_19 : vector<16xf32> to vector<1x16xf32>
    tpu.vector_store %arg19[%swap3A_374, %swap3A_375], %swap3A_378 {strides = array<i32>} : memref<80x16xf32, #tpu.memory_space<vmem>>, vector<1x16xf32>,
    %swap3A_379 = arith.constant 60 : i32
    %swap3A_380 = arith.index_cast %swap3A_379 : i32 to index
    %swap3A_381 = arith.constant 0 : index
    %swap3A_382 = tpu.vector_load %arg19[%swap3A_380, %swap3A_381] {strides = array<i32>} : memref<80x16xf32, #tpu.memory_space<vmem>>, vector<1x16xf32>,
    %swap3A_383 = vector.shape_cast %swap3A_382 : vector<1x16xf32> to vector<16xf32>
    %swap3A_384 = vector.shape_cast %broadcast_in_dim3A_19 : vector<16xf32> to vector<1x16xf32>
    tpu.vector_store %arg19[%swap3A_380, %swap3A_381], %swap3A_384 {strides = array<i32>} : memref<80x16xf32, #tpu.memory_space<vmem>>, vector<1x16xf32>,
    %swap3A_385 = arith.constant 61 : i32
    %swap3A_386 = arith.index_cast %swap3A_385 : i32 to index
    %swap3A_387 = arith.constant 0 : index
    %swap3A_388 = tpu.vector_load %arg19[%swap3A_386, %swap3A_387] {strides = array<i32>} : memref<80x16xf32, #tpu.memory_space<vmem>>, vector<1x16xf32>,
    %swap3A_389 = vector.shape_cast %swap3A_388 : vector<1x16xf32> to vector<16xf32>
    %swap3A_390 = vector.shape_cast %broadcast_in_dim3A_19 : vector<16xf32> to vector<1x16xf32>
    tpu.vector_store %arg19[%swap3A_386, %swap3A_387], %swap3A_390 {strides = array<i32>} : memref<80x16xf32, #tpu.memory_space<vmem>>, vector<1x16xf32>,
    %swap3A_391 = arith.constant 62 : i32
    %swap3A_392 = arith.index_cast %swap3A_391 : i32 to index
    %swap3A_393 = arith.constant 0 : index
    %swap3A_394 = tpu.vector_load %arg19[%swap3A_392, %swap3A_393] {strides = array<i32>} : memref<80x16xf32, #tpu.memory_space<vmem>>, vector<1x16xf32>,
    %swap3A_395 = vector.shape_cast %swap3A_394 : vector<1x16xf32> to vector<16xf32>
    %swap3A_396 = vector.shape_cast %broadcast_in_dim3A_19 : vector<16xf32> to vector<1x16xf32>
    tpu.vector_store %arg19[%swap3A_392, %swap3A_393], %swap3A_396 {strides = array<i32>} : memref<80x16xf32, #tpu.memory_space<vmem>>, vector<1x16xf32>,
    %swap3A_397 = arith.constant 63 : i32
    %swap3A_398 = arith.index_cast %swap3A_397 : i32 to index
    %swap3A_399 = arith.constant 0 : index
    %swap3A_400 = tpu.vector_load %arg19[%swap3A_398, %swap3A_399] {strides = array<i32>} : memref<80x16xf32, #tpu.memory_space<vmem>>, vector<1x16xf32>,
    %swap3A_401 = vector.shape_cast %swap3A_400 : vector<1x16xf32> to vector<16xf32>
    %swap3A_402 = vector.shape_cast %broadcast_in_dim3A_19 : vector<16xf32> to vector<1x16xf32>
    tpu.vector_store %arg19[%swap3A_398, %swap3A_399], %swap3A_402 {strides = array<i32>} : memref<80x16xf32, #tpu.memory_space<vmem>>, vector<1x16xf32>,
    %swap3A_403 = arith.constant 64 : i32
    %swap3A_404 = arith.index_cast %swap3A_403 : i32 to index
    %swap3A_405 = arith.constant 0 : index
    %swap3A_406 = tpu.vector_load %arg19[%swap3A_404, %swap3A_405] {strides = array<i32>} : memref<80x16xf32, #tpu.memory_space<vmem>>, vector<1x16xf32>,
    %swap3A_407 = vector.shape_cast %swap3A_406 : vector<1x16xf32> to vector<16xf32>
    %swap3A_408 = vector.shape_cast %broadcast_in_dim3A_19 : vector<16xf32> to vector<1x16xf32>
    tpu.vector_store %arg19[%swap3A_404, %swap3A_405], %swap3A_408 {strides = array<i32>} : memref<80x16xf32, #tpu.memory_space<vmem>>, vector<1x16xf32>,
    %swap3A_409 = arith.constant 65 : i32
    %swap3A_410 = arith.index_cast %swap3A_409 : i32 to index
    %swap3A_411 = arith.constant 0 : index
    %swap3A_412 = tpu.vector_load %arg19[%swap3A_410, %swap3A_411] {strides = array<i32>} : memref<80x16xf32, #tpu.memory_space<vmem>>, vector<1x16xf32>,
    %swap3A_413 = vector.shape_cast %swap3A_412 : vector<1x16xf32> to vector<16xf32>
    %swap3A_414 = vector.shape_cast %broadcast_in_dim3A_19 : vector<16xf32> to vector<1x16xf32>
    tpu.vector_store %arg19[%swap3A_410, %swap3A_411], %swap3A_414 {strides = array<i32>} : memref<80x16xf32, #tpu.memory_space<vmem>>, vector<1x16xf32>,
    %swap3A_415 = arith.constant 66 : i32
    %swap3A_416 = arith.index_cast %swap3A_415 : i32 to index
    %swap3A_417 = arith.constant 0 : index
    %swap3A_418 = tpu.vector_load %arg19[%swap3A_416, %swap3A_417] {strides = array<i32>} : memref<80x16xf32, #tpu.memory_space<vmem>>, vector<1x16xf32>,
    %swap3A_419 = vector.shape_cast %swap3A_418 : vector<1x16xf32> to vector<16xf32>
    %swap3A_420 = vector.shape_cast %broadcast_in_dim3A_19 : vector<16xf32> to vector<1x16xf32>
    tpu.vector_store %arg19[%swap3A_416, %swap3A_417], %swap3A_420 {strides = array<i32>} : memref<80x16xf32, #tpu.memory_space<vmem>>, vector<1x16xf32>,
    %swap3A_421 = arith.constant 67 : i32
    %swap3A_422 = arith.index_cast %swap3A_421 : i32 to index
    %swap3A_423 = arith.constant 0 : index
    %swap3A_424 = tpu.vector_load %arg19[%swap3A_422, %swap3A_423] {strides = array<i32>} : memref<80x16xf32, #tpu.memory_space<vmem>>, vector<1x16xf32>,
    %swap3A_425 = vector.shape_cast %swap3A_424 : vector<1x16xf32> to vector<16xf32>
    %swap3A_426 = vector.shape_cast %broadcast_in_dim3A_19 : vector<16xf32> to vector<1x16xf32>
    tpu.vector_store %arg19[%swap3A_422, %swap3A_423], %swap3A_426 {strides = array<i32>} : memref<80x16xf32, #tpu.memory_space<vmem>>, vector<1x16xf32>,
    %swap3A_427 = arith.constant 68 : i32
    %swap3A_428 = arith.index_cast %swap3A_427 : i32 to index
    %swap3A_429 = arith.constant 0 : index
    %swap3A_430 = tpu.vector_load %arg19[%swap3A_428, %swap3A_429] {strides = array<i32>} : memref<80x16xf32, #tpu.memory_space<vmem>>, vector<1x16xf32>,
    %swap3A_431 = vector.shape_cast %swap3A_430 : vector<1x16xf32> to vector<16xf32>
    %swap3A_432 = vector.shape_cast %broadcast_in_dim3A_19 : vector<16xf32> to vector<1x16xf32>
    tpu.vector_store %arg19[%swap3A_428, %swap3A_429], %swap3A_432 {strides = array<i32>} : memref<80x16xf32, #tpu.memory_space<vmem>>, vector<1x16xf32>,
    %swap3A_433 = arith.constant 69 : i32
    %swap3A_434 = arith.index_cast %swap3A_433 : i32 to index
    %swap3A_435 = arith.constant 0 : index
    %swap3A_436 = tpu.vector_load %arg19[%swap3A_434, %swap3A_435] {strides = array<i32>} : memref<80x16xf32, #tpu.memory_space<vmem>>, vector<1x16xf32>,
    %swap3A_437 = vector.shape_cast %swap3A_436 : vector<1x16xf32> to vector<16xf32>
    %swap3A_438 = vector.shape_cast %broadcast_in_dim3A_19 : vector<16xf32> to vector<1x16xf32>
    tpu.vector_store %arg19[%swap3A_434, %swap3A_435], %swap3A_438 {strides = array<i32>} : memref<80x16xf32, #tpu.memory_space<vmem>>, vector<1x16xf32>,
    %swap3A_439 = arith.constant 70 : i32
    %swap3A_440 = arith.index_cast %swap3A_439 : i32 to index
    %swap3A_441 = arith.constant 0 : index
    %swap3A_442 = tpu.vector_load %arg19[%swap3A_440, %swap3A_441] {strides = array<i32>} : memref<80x16xf32, #tpu.memory_space<vmem>>, vector<1x16xf32>,
    %swap3A_443 = vector.shape_cast %swap3A_442 : vector<1x16xf32> to vector<16xf32>
    %swap3A_444 = vector.shape_cast %broadcast_in_dim3A_19 : vector<16xf32> to vector<1x16xf32>
    tpu.vector_store %arg19[%swap3A_440, %swap3A_441], %swap3A_444 {strides = array<i32>} : memref<80x16xf32, #tpu.memory_space<vmem>>, vector<1x16xf32>,
    %swap3A_445 = arith.constant 71 : i32
    %swap3A_446 = arith.index_cast %swap3A_445 : i32 to index
    %swap3A_447 = arith.constant 0 : index
    %swap3A_448 = tpu.vector_load %arg19[%swap3A_446, %swap3A_447] {strides = array<i32>} : memref<80x16xf32, #tpu.memory_space<vmem>>, vector<1x16xf32>,
    %swap3A_449 = vector.shape_cast %swap3A_448 : vector<1x16xf32> to vector<16xf32>
    %swap3A_450 = vector.shape_cast %broadcast_in_dim3A_19 : vector<16xf32> to vector<1x16xf32>
    tpu.vector_store %arg19[%swap3A_446, %swap3A_447], %swap3A_450 {strides = array<i32>} : memref<80x16xf32, #tpu.memory_space<vmem>>, vector<1x16xf32>,
    %swap3A_451 = arith.constant 72 : i32
    %swap3A_452 = arith.index_cast %swap3A_451 : i32 to index
    %swap3A_453 = arith.constant 0 : index
    %swap3A_454 = tpu.vector_load %arg19[%swap3A_452, %swap3A_453] {strides = array<i32>} : memref<80x16xf32, #tpu.memory_space<vmem>>, vector<1x16xf32>,
    %swap3A_455 = vector.shape_cast %swap3A_454 : vector<1x16xf32> to vector<16xf32>
    %swap3A_456 = vector.shape_cast %broadcast_in_dim3A_19 : vector<16xf32> to vector<1x16xf32>
    tpu.vector_store %arg19[%swap3A_452, %swap3A_453], %swap3A_456 {strides = array<i32>} : memref<80x16xf32, #tpu.memory_space<vmem>>, vector<1x16xf32>,
    %swap3A_457 = arith.constant 73 : i32
    %swap3A_458 = arith.index_cast %swap3A_457 : i32 to index
    %swap3A_459 = arith.constant 0 : index
    %swap3A_460 = tpu.vector_load %arg19[%swap3A_458, %swap3A_459] {strides = array<i32>} : memref<80x16xf32, #tpu.memory_space<vmem>>, vector<1x16xf32>,
    %swap3A_461 = vector.shape_cast %swap3A_460 : vector<1x16xf32> to vector<16xf32>
    %swap3A_462 = vector.shape_cast %broadcast_in_dim3A_19 : vector<16xf32> to vector<1x16xf32>
    tpu.vector_store %arg19[%swap3A_458, %swap3A_459], %swap3A_462 {strides = array<i32>} : memref<80x16xf32, #tpu.memory_space<vmem>>, vector<1x16xf32>,
    %swap3A_463 = arith.constant 74 : i32
    %swap3A_464 = arith.index_cast %swap3A_463 : i32 to index
    %swap3A_465 = arith.constant 0 : index
    %swap3A_466 = tpu.vector_load %arg19[%swap3A_464, %swap3A_465] {strides = array<i32>} : memref<80x16xf32, #tpu.memory_space<vmem>>, vector<1x16xf32>,
    %swap3A_467 = vector.shape_cast %swap3A_466 : vector<1x16xf32> to vector<16xf32>
    %swap3A_468 = vector.shape_cast %broadcast_in_dim3A_19 : vector<16xf32> to vector<1x16xf32>
    tpu.vector_store %arg19[%swap3A_464, %swap3A_465], %swap3A_468 {strides = array<i32>} : memref<80x16xf32, #tpu.memory_space<vmem>>, vector<1x16xf32>,
    %swap3A_469 = arith.constant 75 : i32
    %swap3A_470 = arith.index_cast %swap3A_469 : i32 to index
    %swap3A_471 = arith.constant 0 : index
    %swap3A_472 = tpu.vector_load %arg19[%swap3A_470, %swap3A_471] {strides = array<i32>} : memref<80x16xf32, #tpu.memory_space<vmem>>, vector<1x16xf32>,
    %swap3A_473 = vector.shape_cast %swap3A_472 : vector<1x16xf32> to vector<16xf32>
    %swap3A_474 = vector.shape_cast %broadcast_in_dim3A_19 : vector<16xf32> to vector<1x16xf32>
    tpu.vector_store %arg19[%swap3A_470, %swap3A_471], %swap3A_474 {strides = array<i32>} : memref<80x16xf32, #tpu.memory_space<vmem>>, vector<1x16xf32>,
    %swap3A_475 = arith.constant 76 : i32
    %swap3A_476 = arith.index_cast %swap3A_475 : i32 to index
    %swap3A_477 = arith.constant 0 : index
    %swap3A_478 = tpu.vector_load %arg19[%swap3A_476, %swap3A_477] {strides = array<i32>} : memref<80x16xf32, #tpu.memory_space<vmem>>, vector<1x16xf32>,
    %swap3A_479 = vector.shape_cast %swap3A_478 : vector<1x16xf32> to vector<16xf32>
    %swap3A_480 = vector.shape_cast %broadcast_in_dim3A_19 : vector<16xf32> to vector<1x16xf32>
    tpu.vector_store %arg19[%swap3A_476, %swap3A_477], %swap3A_480 {strides = array<i32>} : memref<80x16xf32, #tpu.memory_space<vmem>>, vector<1x16xf32>,
    %swap3A_481 = arith.constant 77 : i32
    %swap3A_482 = arith.index_cast %swap3A_481 : i32 to index
    %swap3A_483 = arith.constant 0 : index
    %swap3A_484 = tpu.vector_load %arg19[%swap3A_482, %swap3A_483] {strides = array<i32>} : memref<80x16xf32, #tpu.memory_space<vmem>>, vector<1x16xf32>,
    %swap3A_485 = vector.shape_cast %swap3A_484 : vector<1x16xf32> to vector<16xf32>
    %swap3A_486 = vector.shape_cast %broadcast_in_dim3A_19 : vector<16xf32> to vector<1x16xf32>
    tpu.vector_store %arg19[%swap3A_482, %swap3A_483], %swap3A_486 {strides = array<i32>} : memref<80x16xf32, #tpu.memory_space<vmem>>, vector<1x16xf32>,
    %swap3A_487 = arith.constant 78 : i32
    %swap3A_488 = arith.index_cast %swap3A_487 : i32 to index
    %swap3A_489 = arith.constant 0 : index
    %swap3A_490 = tpu.vector_load %arg19[%swap3A_488, %swap3A_489] {strides = array<i32>} : memref<80x16xf32, #tpu.memory_space<vmem>>, vector<1x16xf32>,
    %swap3A_491 = vector.shape_cast %swap3A_490 : vector<1x16xf32> to vector<16xf32>
    %swap3A_492 = vector.shape_cast %broadcast_in_dim3A_19 : vector<16xf32> to vector<1x16xf32>
    tpu.vector_store %arg19[%swap3A_488, %swap3A_489], %swap3A_492 {strides = array<i32>} : memref<80x16xf32, #tpu.memory_space<vmem>>, vector<1x16xf32>,
    %swap3A_493 = arith.constant 79 : i32
    %swap3A_494 = arith.index_cast %swap3A_493 : i32 to index
    %swap3A_495 = arith.constant 0 : index
    %swap3A_496 = tpu.vector_load %arg19[%swap3A_494, %swap3A_495] {strides = array<i32>} : memref<80x16xf32, #tpu.memory_space<vmem>>, vector<1x16xf32>,
    %swap3A_497 = vector.shape_cast %swap3A_496 : vector<1x16xf32> to vector<16xf32>
    %swap3A_498 = vector.shape_cast %broadcast_in_dim3A_19 : vector<16xf32> to vector<1x16xf32>
    tpu.vector_store %arg19[%swap3A_494, %swap3A_495], %swap3A_498 {strides = array<i32>} : memref<80x16xf32, #tpu.memory_space<vmem>>, vector<1x16xf32>,
    %barrier3A = arith.constant 0 : index
    tpu.barrier barrier_id(%barrier3A)
    %mul3A_499 = arith.constant 125 : i32
    %mul3A_500 = arith.muli %add3A, %mul3A_499 : i32
    %add3A_501 = arith.constant 0 : i32
    %add3A_502 = arith.addi %mul3A_500, %add3A_501 : i32
    %mul3A_503 = arith.constant 80 : i32
    %mul3A_504 = arith.muli %add3A_502, %mul3A_503 : i32
    %dma_start3A = arith.constant 0 : i32
    %dma_start3A_505 = tpu.memref_slice %arg3[%dma_start3A, %mul3A_504] : memref<2x320000xi32, #tpu.memory_space<hbm>> -> memref<2x80xi32, #tpu.memory_space<hbm>>
    %dma_start3A_506 = arith.constant 0 : i32
    %dma_start3A_507 = tpu.memref_slice %arg3[%dma_start3A_506, %mul3A_504] : memref<2x320000xi32, #tpu.memory_space<hbm>> -> memref<2x80xi32, #tpu.memory_space<hbm>>
    tpu.enqueue_dma source(%dma_start3A_507 : memref<2x80xi32, #tpu.memory_space<hbm>>) target(%arg13 : memref<2x80xi32, #tpu.memory_space<vmem>>) target_semaphore(%arg20 : memref<!tpu.dma_semaphore, #tpu.memory_space<semaphore_mem>>)
    %add3A_508 = arith.constant 1 : i32
    %add3A_509 = arith.addi %mul3A_500, %add3A_508 : i32
    %mul3A_510 = arith.constant 80 : i32
    %mul3A_511 = arith.muli %add3A_509, %mul3A_510 : i32
    %dma_start3A_512 = arith.constant 0 : i32
    %dma_start3A_513 = tpu.memref_slice %arg3[%dma_start3A_512, %mul3A_511] : memref<2x320000xi32, #tpu.memory_space<hbm>> -> memref<2x80xi32, #tpu.memory_space<hbm>>
    %dma_start3A_514 = arith.constant 0 : i32
    %dma_start3A_515 = tpu.memref_slice %arg3[%dma_start3A_514, %mul3A_511] : memref<2x320000xi32, #tpu.memory_space<hbm>> -> memref<2x80xi32, #tpu.memory_space<hbm>>
    tpu.enqueue_dma source(%dma_start3A_515 : memref<2x80xi32, #tpu.memory_space<hbm>>) target(%arg14 : memref<2x80xi32, #tpu.memory_space<vmem>>) target_semaphore(%arg21 : memref<!tpu.dma_semaphore, #tpu.memory_space<semaphore_mem>>)
    %dma_wait3A = arith.constant 0 : i32
    %dma_wait3A_516 = arith.constant 0 : i32
    %dma_wait3A_517 = tpu.memref_slice %arg3[%dma_wait3A, %dma_wait3A_516] : memref<2x320000xi32, #tpu.memory_space<hbm>> -> memref<2x80xi32, #tpu.memory_space<hbm>>
    %dma_wait3A_518 = arith.constant 0 : i32
    %dma_wait3A_519 = arith.constant 0 : i32
    %dma_wait3A_520 = tpu.memref_slice %arg3[%dma_wait3A_518, %dma_wait3A_519] : memref<2x320000xi32, #tpu.memory_space<hbm>> -> memref<2x80xi32, #tpu.memory_space<hbm>>
    tpu.wait_dma2 semaphore(%arg20 : memref<!tpu.dma_semaphore, #tpu.memory_space<semaphore_mem>>) src(%dma_wait3A_520 : memref<2x80xi32, #tpu.memory_space<hbm>>) dst(%arg13 : memref<2x80xi32, #tpu.memory_space<vmem>>)
    %dma_start3A_521 = arith.constant 0 : i32
    %dma_start3A_522 = arith.constant 0 : i32
    %dma_start3A_523 = tpu.memref_slice %arg13[%dma_start3A_521, %dma_start3A_522] : memref<2x80xi32, #tpu.memory_space<vmem>> -> memref<1x80xi32, #tpu.memory_space<vmem>>
    %dma_start3A_524 = tpu.memref_squeeze %dma_start3A_523 : memref<1x80xi32, #tpu.memory_space<vmem>> -> memref<80xi32, #tpu.memory_space<vmem>>
    %dma_start3A_525 = arith.constant 0 : i32
    %dma_start3A_526 = arith.constant 0 : i32
    %dma_start3A_527 = tpu.memref_slice %arg2[%dma_start3A_525, %dma_start3A_526] : memref<10000x128xf32, #tpu.memory_space<hbm>> -> memref<10000x128xf32, #tpu.memory_space<hbm>>
    tpu.enqueue_indirect_dma source(%dma_start3A_527 : memref<10000x128xf32, #tpu.memory_space<hbm>>) target(%arg17 : memref<80x128xf32, #tpu.memory_space<vmem>>) offsets(%dma_start3A_524 : memref<80xi32, #tpu.memory_space<vmem>>) semaphore(%arg22 : memref<!tpu.dma_semaphore, #tpu.memory_space<semaphore_mem>>)
    %add3A_528 = arith.constant 0 : i32
    %add3A_529 = arith.addi %mul3A_500, %add3A_528 : i32
    %mul3A_530 = arith.constant 80 : i32
    %mul3A_531 = arith.muli %add3A_529, %mul3A_530 : i32
    %dma_start3A_532 = arith.constant 0 : i32
    %dma_start3A_533 = tpu.memref_slice %arg4[%mul3A_531, %dma_start3A_532] : memref<320000x16xf32, #tpu.memory_space<hbm>> -> memref<80x16xf32, #tpu.memory_space<hbm>>
    %dma_start3A_534 = arith.constant 0 : i32
    %dma_start3A_535 = tpu.memref_slice %arg4[%mul3A_531, %dma_start3A_534] : memref<320000x16xf32, #tpu.memory_space<hbm>> -> memref<80x16xf32, #tpu.memory_space<hbm>>
    tpu.enqueue_dma source(%dma_start3A_535 : memref<80x16xf32, #tpu.memory_space<hbm>>) target(%arg15 : memref<80x16xf32, #tpu.memory_space<vmem>>) target_semaphore(%arg22 : memref<!tpu.dma_semaphore, #tpu.memory_space<semaphore_mem>>)
    %dma_wait3A_536 = arith.constant 0 : i32
    %dma_wait3A_537 = arith.constant 0 : i32
    %dma_wait3A_538 = tpu.memref_slice %arg2[%dma_wait3A_536, %dma_wait3A_537] : memref<10000x128xf32, #tpu.memory_space<hbm>> -> memref<80x128xf32, #tpu.memory_space<hbm>>
    %dma_wait3A_539 = arith.constant 0 : i32
    %dma_wait3A_540 = arith.constant 0 : i32
    %dma_wait3A_541 = tpu.memref_slice %arg2[%dma_wait3A_539, %dma_wait3A_540] : memref<10000x128xf32, #tpu.memory_space<hbm>> -> memref<80x128xf32, #tpu.memory_space<hbm>>
    tpu.wait_dma2 semaphore(%arg22 : memref<!tpu.dma_semaphore, #tpu.memory_space<semaphore_mem>>) src(%dma_wait3A_541 : memref<80x128xf32, #tpu.memory_space<hbm>>) dst(%arg17 : memref<80x128xf32, #tpu.memory_space<vmem>>)
    %dma_wait3A_542 = arith.constant 0 : i32
    %dma_wait3A_543 = arith.constant 0 : i32
    %dma_wait3A_544 = tpu.memref_slice %arg4[%dma_wait3A_542, %dma_wait3A_543] : memref<320000x16xf32, #tpu.memory_space<hbm>> -> memref<80x16xf32, #tpu.memory_space<hbm>>
    %dma_wait3A_545 = arith.constant 0 : i32
    %dma_wait3A_546 = arith.constant 0 : i32
    %dma_wait3A_547 = tpu.memref_slice %arg4[%dma_wait3A_545, %dma_wait3A_546] : memref<320000x16xf32, #tpu.memory_space<hbm>> -> memref<80x16xf32, #tpu.memory_space<hbm>>
    tpu.wait_dma2 semaphore(%arg22 : memref<!tpu.dma_semaphore, #tpu.memory_space<semaphore_mem>>) src(%dma_wait3A_547 : memref<80x16xf32, #tpu.memory_space<hbm>>) dst(%arg15 : memref<80x16xf32, #tpu.memory_space<vmem>>)
    %dma_start3A_548 = arith.constant 1 : i32
    %dma_start3A_549 = arith.constant 0 : i32
    %dma_start3A_550 = tpu.memref_slice %arg13[%dma_start3A_548, %dma_start3A_549] : memref<2x80xi32, #tpu.memory_space<vmem>> -> memref<1x80xi32, #tpu.memory_space<vmem>>
    %dma_start3A_551 = tpu.memref_squeeze %dma_start3A_550 : memref<1x80xi32, #tpu.memory_space<vmem>> -> memref<80xi32, #tpu.memory_space<vmem>>
    %dma_start3A_552 = arith.constant 0 : i32
    %dma_start3A_553 = arith.constant 0 : i32
    %dma_start3A_554 = tpu.memref_slice %arg10[%dma_start3A_552, %dma_start3A_553] : memref<10240x128xf32, #tpu.memory_space<vmem_shared>> -> memref<10240x128xf32, #tpu.memory_space<vmem_shared>>
    tpu.enqueue_indirect_dma source(%arg17 : memref<80x128xf32, #tpu.memory_space<vmem>>) target(%dma_start3A_554 : memref<10240x128xf32, #tpu.memory_space<vmem_shared>>) offsets(%dma_start3A_551 : memref<80xi32, #tpu.memory_space<vmem>>) semaphore(%arg24 : memref<!tpu.dma_semaphore, #tpu.memory_space<semaphore_mem>>) {add = true}
    %dma_start3A_555 = arith.constant 1 : i32
    %dma_start3A_556 = arith.constant 0 : i32
    %dma_start3A_557 = tpu.memref_slice %arg13[%dma_start3A_555, %dma_start3A_556] : memref<2x80xi32, #tpu.memory_space<vmem>> -> memref<1x80xi32, #tpu.memory_space<vmem>>
    %dma_start3A_558 = tpu.memref_squeeze %dma_start3A_557 : memref<1x80xi32, #tpu.memory_space<vmem>> -> memref<80xi32, #tpu.memory_space<vmem>>
    %dma_start3A_559 = arith.constant 0 : i32
    %dma_start3A_560 = arith.constant 0 : i32
    %dma_start3A_561 = tpu.memref_slice %arg11[%dma_start3A_559, %dma_start3A_560] : memref<10240x16xf32, #tpu.memory_space<vmem_shared>> -> memref<10240x16xf32, #tpu.memory_space<vmem_shared>>
    tpu.enqueue_indirect_dma source(%arg15 : memref<80x16xf32, #tpu.memory_space<vmem>>) target(%dma_start3A_561 : memref<10240x16xf32, #tpu.memory_space<vmem_shared>>) offsets(%dma_start3A_558 : memref<80xi32, #tpu.memory_space<vmem>>) semaphore(%arg24 : memref<!tpu.dma_semaphore, #tpu.memory_space<semaphore_mem>>) {add = true}
    %dma_start3A_562 = arith.constant 1 : i32
    %dma_start3A_563 = arith.constant 0 : i32
    %dma_start3A_564 = tpu.memref_slice %arg13[%dma_start3A_562, %dma_start3A_563] : memref<2x80xi32, #tpu.memory_space<vmem>> -> memref<1x80xi32, #tpu.memory_space<vmem>>
    %dma_start3A_565 = tpu.memref_squeeze %dma_start3A_564 : memref<1x80xi32, #tpu.memory_space<vmem>> -> memref<80xi32, #tpu.memory_space<vmem>>
    %dma_start3A_566 = arith.constant 0 : i32
    %dma_start3A_567 = arith.constant 0 : i32
    %dma_start3A_568 = tpu.memref_slice %arg12[%dma_start3A_566, %dma_start3A_567] : memref<10240x16xf32, #tpu.memory_space<vmem_shared>> -> memref<10240x16xf32, #tpu.memory_space<vmem_shared>>
    tpu.enqueue_indirect_dma source(%arg19 : memref<80x16xf32, #tpu.memory_space<vmem>>) target(%dma_start3A_568 : memref<10240x16xf32, #tpu.memory_space<vmem_shared>>) offsets(%dma_start3A_565 : memref<80xi32, #tpu.memory_space<vmem>>) semaphore(%arg24 : memref<!tpu.dma_semaphore, #tpu.memory_space<semaphore_mem>>) {add = true}
    %dma_wait3A_569 = arith.constant 0 : i32
    %dma_wait3A_570 = arith.constant 0 : i32
    %dma_wait3A_571 = tpu.memref_slice %arg3[%dma_wait3A_569, %dma_wait3A_570] : memref<2x320000xi32, #tpu.memory_space<hbm>> -> memref<2x80xi32, #tpu.memory_space<hbm>>
    %dma_wait3A_572 = arith.constant 0 : i32
    %dma_wait3A_573 = arith.constant 0 : i32
    %dma_wait3A_574 = tpu.memref_slice %arg3[%dma_wait3A_572, %dma_wait3A_573] : memref<2x320000xi32, #tpu.memory_space<hbm>> -> memref<2x80xi32, #tpu.memory_space<hbm>>
    tpu.wait_dma2 semaphore(%arg21 : memref<!tpu.dma_semaphore, #tpu.memory_space<semaphore_mem>>) src(%dma_wait3A_574 : memref<2x80xi32, #tpu.memory_space<hbm>>) dst(%arg14 : memref<2x80xi32, #tpu.memory_space<vmem>>)
    %dma_start3A_575 = arith.constant 0 : i32
    %dma_start3A_576 = arith.constant 0 : i32
    %dma_start3A_577 = tpu.memref_slice %arg14[%dma_start3A_575, %dma_start3A_576] : memref<2x80xi32, #tpu.memory_space<vmem>> -> memref<1x80xi32, #tpu.memory_space<vmem>>
    %dma_start3A_578 = tpu.memref_squeeze %dma_start3A_577 : memref<1x80xi32, #tpu.memory_space<vmem>> -> memref<80xi32, #tpu.memory_space<vmem>>
    %dma_start3A_579 = arith.constant 0 : i32
    %dma_start3A_580 = arith.constant 0 : i32
    %dma_start3A_581 = tpu.memref_slice %arg2[%dma_start3A_579, %dma_start3A_580] : memref<10000x128xf32, #tpu.memory_space<hbm>> -> memref<10000x128xf32, #tpu.memory_space<hbm>>
    tpu.enqueue_indirect_dma source(%dma_start3A_581 : memref<10000x128xf32, #tpu.memory_space<hbm>>) target(%arg18 : memref<80x128xf32, #tpu.memory_space<vmem>>) offsets(%dma_start3A_578 : memref<80xi32, #tpu.memory_space<vmem>>) semaphore(%arg23 : memref<!tpu.dma_semaphore, #tpu.memory_space<semaphore_mem>>)
    %add3A_582 = arith.constant 1 : i32
    %add3A_583 = arith.addi %mul3A_500, %add3A_582 : i32
    %mul3A_584 = arith.constant 80 : i32
    %mul3A_585 = arith.muli %add3A_583, %mul3A_584 : i32
    %dma_start3A_586 = arith.constant 0 : i32
    %dma_start3A_587 = tpu.memref_slice %arg4[%mul3A_585, %dma_start3A_586] : memref<320000x16xf32, #tpu.memory_space<hbm>> -> memref<80x16xf32, #tpu.memory_space<hbm>>
    %dma_start3A_588 = arith.constant 0 : i32
    %dma_start3A_589 = tpu.memref_slice %arg4[%mul3A_585, %dma_start3A_588] : memref<320000x16xf32, #tpu.memory_space<hbm>> -> memref<80x16xf32, #tpu.memory_space<hbm>>
    tpu.enqueue_dma source(%dma_start3A_589 : memref<80x16xf32, #tpu.memory_space<hbm>>) target(%arg16 : memref<80x16xf32, #tpu.memory_space<vmem>>) target_semaphore(%arg23 : memref<!tpu.dma_semaphore, #tpu.memory_space<semaphore_mem>>)
    %scan3A = arith.constant 0 : i32
    %scan3A_590 = arith.constant 61 : i32
    %scan3A_591 = arith.addi %scan3A, %scan3A_590 : i32
    %scan3A_592 = arith.constant 1 : i32
    scf.for %scan3A_779 = %scan3A to %scan3A_591 step %scan3A_592  : i32 {
      %mul3A_780 = arith.constant 1 : i32
      %mul3A_781 = arith.muli %scan3A_779, %mul3A_780 : i32
      %add3A_782 = arith.constant 0 : i32
      %add3A_783 = arith.addi %add3A_782, %mul3A_781 : i32
      %mul3A_784 = arith.constant 2 : i32
      %mul3A_785 = arith.muli %mul3A_784, %add3A_783 : i32
      %add3A_786 = arith.constant 2 : i32
      %add3A_787 = arith.addi %mul3A_785, %add3A_786 : i32
      %mul3A_788 = arith.constant 2 : i32
      %mul3A_789 = arith.muli %mul3A_788, %add3A_783 : i32
      %add3A_790 = arith.constant 3 : i32
      %add3A_791 = arith.addi %mul3A_789, %add3A_790 : i32
      %dma_wait3A_792 = arith.constant 0 : i32
      %dma_wait3A_793 = arith.constant 0 : i32
      %dma_wait3A_794 = tpu.memref_slice %arg10[%dma_wait3A_792, %dma_wait3A_793] : memref<10240x128xf32, #tpu.memory_space<vmem_shared>> -> memref<80x128xf32, #tpu.memory_space<vmem_shared>>
      %dma_wait3A_795 = arith.constant 0 : i32
      %dma_wait3A_796 = arith.constant 0 : i32
      %dma_wait3A_797 = tpu.memref_slice %arg10[%dma_wait3A_795, %dma_wait3A_796] : memref<10240x128xf32, #tpu.memory_space<vmem_shared>> -> memref<80x128xf32, #tpu.memory_space<vmem_shared>>
      tpu.wait_dma2 semaphore(%arg24 : memref<!tpu.dma_semaphore, #tpu.memory_space<semaphore_mem>>) src(%arg17 : memref<80x128xf32, #tpu.memory_space<vmem>>) dst(%dma_wait3A_797 : memref<80x128xf32, #tpu.memory_space<vmem_shared>>)
      %dma_wait3A_798 = arith.constant 0 : i32
      %dma_wait3A_799 = arith.constant 0 : i32
      %dma_wait3A_800 = tpu.memref_slice %arg11[%dma_wait3A_798, %dma_wait3A_799] : memref<10240x16xf32, #tpu.memory_space<vmem_shared>> -> memref<80x16xf32, #tpu.memory_space<vmem_shared>>
      %dma_wait3A_801 = arith.constant 0 : i32
      %dma_wait3A_802 = arith.constant 0 : i32
      %dma_wait3A_803 = tpu.memref_slice %arg11[%dma_wait3A_801, %dma_wait3A_802] : memref<10240x16xf32, #tpu.memory_space<vmem_shared>> -> memref<80x16xf32, #tpu.memory_space<vmem_shared>>
      tpu.wait_dma2 semaphore(%arg24 : memref<!tpu.dma_semaphore, #tpu.memory_space<semaphore_mem>>) src(%arg15 : memref<80x16xf32, #tpu.memory_space<vmem>>) dst(%dma_wait3A_803 : memref<80x16xf32, #tpu.memory_space<vmem_shared>>)
      %dma_wait3A_804 = arith.constant 0 : i32
      %dma_wait3A_805 = arith.constant 0 : i32
      %dma_wait3A_806 = tpu.memref_slice %arg12[%dma_wait3A_804, %dma_wait3A_805] : memref<10240x16xf32, #tpu.memory_space<vmem_shared>> -> memref<80x16xf32, #tpu.memory_space<vmem_shared>>
      %dma_wait3A_807 = arith.constant 0 : i32
      %dma_wait3A_808 = arith.constant 0 : i32
      %dma_wait3A_809 = tpu.memref_slice %arg12[%dma_wait3A_807, %dma_wait3A_808] : memref<10240x16xf32, #tpu.memory_space<vmem_shared>> -> memref<80x16xf32, #tpu.memory_space<vmem_shared>>
      tpu.wait_dma2 semaphore(%arg24 : memref<!tpu.dma_semaphore, #tpu.memory_space<semaphore_mem>>) src(%arg19 : memref<80x16xf32, #tpu.memory_space<vmem>>) dst(%dma_wait3A_809 : memref<80x16xf32, #tpu.memory_space<vmem_shared>>)
      %add3A_810 = arith.addi %mul3A_500, %add3A_787 : i32
      %mul3A_811 = arith.constant 80 : i32
      %mul3A_812 = arith.muli %add3A_810, %mul3A_811 : i32
      %dma_start3A_813 = arith.constant 0 : i32
      %dma_start3A_814 = tpu.memref_slice %arg3[%dma_start3A_813, %mul3A_812] : memref<2x320000xi32, #tpu.memory_space<hbm>> -> memref<2x80xi32, #tpu.memory_space<hbm>>
      %dma_start3A_815 = arith.constant 0 : i32
      %dma_start3A_816 = tpu.memref_slice %arg3[%dma_start3A_815, %mul3A_812] : memref<2x320000xi32, #tpu.memory_space<hbm>> -> memref<2x80xi32, #tpu.memory_space<hbm>>
      tpu.enqueue_dma source(%dma_start3A_816 : memref<2x80xi32, #tpu.memory_space<hbm>>) target(%arg13 : memref<2x80xi32, #tpu.memory_space<vmem>>) target_semaphore(%arg20 : memref<!tpu.dma_semaphore, #tpu.memory_space<semaphore_mem>>)
      %dma_wait3A_817 = arith.constant 0 : i32
      %dma_wait3A_818 = arith.constant 0 : i32
      %dma_wait3A_819 = tpu.memref_slice %arg2[%dma_wait3A_817, %dma_wait3A_818] : memref<10000x128xf32, #tpu.memory_space<hbm>> -> memref<80x128xf32, #tpu.memory_space<hbm>>
      %dma_wait3A_820 = arith.constant 0 : i32
      %dma_wait3A_821 = arith.constant 0 : i32
      %dma_wait3A_822 = tpu.memref_slice %arg2[%dma_wait3A_820, %dma_wait3A_821] : memref<10000x128xf32, #tpu.memory_space<hbm>> -> memref<80x128xf32, #tpu.memory_space<hbm>>
      tpu.wait_dma2 semaphore(%arg23 : memref<!tpu.dma_semaphore, #tpu.memory_space<semaphore_mem>>) src(%dma_wait3A_822 : memref<80x128xf32, #tpu.memory_space<hbm>>) dst(%arg18 : memref<80x128xf32, #tpu.memory_space<vmem>>)
      %dma_wait3A_823 = arith.constant 0 : i32
      %dma_wait3A_824 = arith.constant 0 : i32
      %dma_wait3A_825 = tpu.memref_slice %arg4[%dma_wait3A_823, %dma_wait3A_824] : memref<320000x16xf32, #tpu.memory_space<hbm>> -> memref<80x16xf32, #tpu.memory_space<hbm>>
      %dma_wait3A_826 = arith.constant 0 : i32
      %dma_wait3A_827 = arith.constant 0 : i32
      %dma_wait3A_828 = tpu.memref_slice %arg4[%dma_wait3A_826, %dma_wait3A_827] : memref<320000x16xf32, #tpu.memory_space<hbm>> -> memref<80x16xf32, #tpu.memory_space<hbm>>
      tpu.wait_dma2 semaphore(%arg23 : memref<!tpu.dma_semaphore, #tpu.memory_space<semaphore_mem>>) src(%dma_wait3A_828 : memref<80x16xf32, #tpu.memory_space<hbm>>) dst(%arg16 : memref<80x16xf32, #tpu.memory_space<vmem>>)
      %dma_start3A_829 = arith.constant 1 : i32
      %dma_start3A_830 = arith.constant 0 : i32
      %dma_start3A_831 = tpu.memref_slice %arg14[%dma_start3A_829, %dma_start3A_830] : memref<2x80xi32, #tpu.memory_space<vmem>> -> memref<1x80xi32, #tpu.memory_space<vmem>>
      %dma_start3A_832 = tpu.memref_squeeze %dma_start3A_831 : memref<1x80xi32, #tpu.memory_space<vmem>> -> memref<80xi32, #tpu.memory_space<vmem>>
      %dma_start3A_833 = arith.constant 0 : i32
      %dma_start3A_834 = arith.constant 0 : i32
      %dma_start3A_835 = tpu.memref_slice %arg10[%dma_start3A_833, %dma_start3A_834] : memref<10240x128xf32, #tpu.memory_space<vmem_shared>> -> memref<10240x128xf32, #tpu.memory_space<vmem_shared>>
      tpu.enqueue_indirect_dma source(%arg18 : memref<80x128xf32, #tpu.memory_space<vmem>>) target(%dma_start3A_835 : memref<10240x128xf32, #tpu.memory_space<vmem_shared>>) offsets(%dma_start3A_832 : memref<80xi32, #tpu.memory_space<vmem>>) semaphore(%arg25 : memref<!tpu.dma_semaphore, #tpu.memory_space<semaphore_mem>>) {add = true}
      %dma_start3A_836 = arith.constant 1 : i32
      %dma_start3A_837 = arith.constant 0 : i32
      %dma_start3A_838 = tpu.memref_slice %arg14[%dma_start3A_836, %dma_start3A_837] : memref<2x80xi32, #tpu.memory_space<vmem>> -> memref<1x80xi32, #tpu.memory_space<vmem>>
      %dma_start3A_839 = tpu.memref_squeeze %dma_start3A_838 : memref<1x80xi32, #tpu.memory_space<vmem>> -> memref<80xi32, #tpu.memory_space<vmem>>
      %dma_start3A_840 = arith.constant 0 : i32
      %dma_start3A_841 = arith.constant 0 : i32
      %dma_start3A_842 = tpu.memref_slice %arg11[%dma_start3A_840, %dma_start3A_841] : memref<10240x16xf32, #tpu.memory_space<vmem_shared>> -> memref<10240x16xf32, #tpu.memory_space<vmem_shared>>
      tpu.enqueue_indirect_dma source(%arg16 : memref<80x16xf32, #tpu.memory_space<vmem>>) target(%dma_start3A_842 : memref<10240x16xf32, #tpu.memory_space<vmem_shared>>) offsets(%dma_start3A_839 : memref<80xi32, #tpu.memory_space<vmem>>) semaphore(%arg25 : memref<!tpu.dma_semaphore, #tpu.memory_space<semaphore_mem>>) {add = true}
      %dma_start3A_843 = arith.constant 1 : i32
      %dma_start3A_844 = arith.constant 0 : i32
      %dma_start3A_845 = tpu.memref_slice %arg14[%dma_start3A_843, %dma_start3A_844] : memref<2x80xi32, #tpu.memory_space<vmem>> -> memref<1x80xi32, #tpu.memory_space<vmem>>
      %dma_start3A_846 = tpu.memref_squeeze %dma_start3A_845 : memref<1x80xi32, #tpu.memory_space<vmem>> -> memref<80xi32, #tpu.memory_space<vmem>>
      %dma_start3A_847 = arith.constant 0 : i32
      %dma_start3A_848 = arith.constant 0 : i32
      %dma_start3A_849 = tpu.memref_slice %arg12[%dma_start3A_847, %dma_start3A_848] : memref<10240x16xf32, #tpu.memory_space<vmem_shared>> -> memref<10240x16xf32, #tpu.memory_space<vmem_shared>>
      tpu.enqueue_indirect_dma source(%arg19 : memref<80x16xf32, #tpu.memory_space<vmem>>) target(%dma_start3A_849 : memref<10240x16xf32, #tpu.memory_space<vmem_shared>>) offsets(%dma_start3A_846 : memref<80xi32, #tpu.memory_space<vmem>>) semaphore(%arg25 : memref<!tpu.dma_semaphore, #tpu.memory_space<semaphore_mem>>) {add = true}
      %dma_wait3A_850 = arith.constant 0 : i32
      %dma_wait3A_851 = arith.constant 0 : i32
      %dma_wait3A_852 = tpu.memref_slice %arg3[%dma_wait3A_850, %dma_wait3A_851] : memref<2x320000xi32, #tpu.memory_space<hbm>> -> memref<2x80xi32, #tpu.memory_space<hbm>>
      %dma_wait3A_853 = arith.constant 0 : i32
      %dma_wait3A_854 = arith.constant 0 : i32
      %dma_wait3A_855 = tpu.memref_slice %arg3[%dma_wait3A_853, %dma_wait3A_854] : memref<2x320000xi32, #tpu.memory_space<hbm>> -> memref<2x80xi32, #tpu.memory_space<hbm>>
      tpu.wait_dma2 semaphore(%arg20 : memref<!tpu.dma_semaphore, #tpu.memory_space<semaphore_mem>>) src(%dma_wait3A_855 : memref<2x80xi32, #tpu.memory_space<hbm>>) dst(%arg13 : memref<2x80xi32, #tpu.memory_space<vmem>>)
      %dma_start3A_856 = arith.constant 0 : i32
      %dma_start3A_857 = arith.constant 0 : i32
      %dma_start3A_858 = tpu.memref_slice %arg13[%dma_start3A_856, %dma_start3A_857] : memref<2x80xi32, #tpu.memory_space<vmem>> -> memref<1x80xi32, #tpu.memory_space<vmem>>
      %dma_start3A_859 = tpu.memref_squeeze %dma_start3A_858 : memref<1x80xi32, #tpu.memory_space<vmem>> -> memref<80xi32, #tpu.memory_space<vmem>>
      %dma_start3A_860 = arith.constant 0 : i32
      %dma_start3A_861 = arith.constant 0 : i32
      %dma_start3A_862 = tpu.memref_slice %arg2[%dma_start3A_860, %dma_start3A_861] : memref<10000x128xf32, #tpu.memory_space<hbm>> -> memref<10000x128xf32, #tpu.memory_space<hbm>>
      tpu.enqueue_indirect_dma source(%dma_start3A_862 : memref<10000x128xf32, #tpu.memory_space<hbm>>) target(%arg17 : memref<80x128xf32, #tpu.memory_space<vmem>>) offsets(%dma_start3A_859 : memref<80xi32, #tpu.memory_space<vmem>>) semaphore(%arg22 : memref<!tpu.dma_semaphore, #tpu.memory_space<semaphore_mem>>)
      %add3A_863 = arith.addi %mul3A_500, %add3A_787 : i32
      %mul3A_864 = arith.constant 80 : i32
      %mul3A_865 = arith.muli %add3A_863, %mul3A_864 : i32
      %dma_start3A_866 = arith.constant 0 : i32
      %dma_start3A_867 = tpu.memref_slice %arg4[%mul3A_865, %dma_start3A_866] : memref<320000x16xf32, #tpu.memory_space<hbm>> -> memref<80x16xf32, #tpu.memory_space<hbm>>
      %dma_start3A_868 = arith.constant 0 : i32
      %dma_start3A_869 = tpu.memref_slice %arg4[%mul3A_865, %dma_start3A_868] : memref<320000x16xf32, #tpu.memory_space<hbm>> -> memref<80x16xf32, #tpu.memory_space<hbm>>
      tpu.enqueue_dma source(%dma_start3A_869 : memref<80x16xf32, #tpu.memory_space<hbm>>) target(%arg15 : memref<80x16xf32, #tpu.memory_space<vmem>>) target_semaphore(%arg22 : memref<!tpu.dma_semaphore, #tpu.memory_space<semaphore_mem>>)
      %dma_wait3A_870 = arith.constant 0 : i32
      %dma_wait3A_871 = arith.constant 0 : i32
      %dma_wait3A_872 = tpu.memref_slice %arg10[%dma_wait3A_870, %dma_wait3A_871] : memref<10240x128xf32, #tpu.memory_space<vmem_shared>> -> memref<80x128xf32, #tpu.memory_space<vmem_shared>>
      %dma_wait3A_873 = arith.constant 0 : i32
      %dma_wait3A_874 = arith.constant 0 : i32
      %dma_wait3A_875 = tpu.memref_slice %arg10[%dma_wait3A_873, %dma_wait3A_874] : memref<10240x128xf32, #tpu.memory_space<vmem_shared>> -> memref<80x128xf32, #tpu.memory_space<vmem_shared>>
      tpu.wait_dma2 semaphore(%arg25 : memref<!tpu.dma_semaphore, #tpu.memory_space<semaphore_mem>>) src(%arg18 : memref<80x128xf32, #tpu.memory_space<vmem>>) dst(%dma_wait3A_875 : memref<80x128xf32, #tpu.memory_space<vmem_shared>>)
      %dma_wait3A_876 = arith.constant 0 : i32
      %dma_wait3A_877 = arith.constant 0 : i32
      %dma_wait3A_878 = tpu.memref_slice %arg11[%dma_wait3A_876, %dma_wait3A_877] : memref<10240x16xf32, #tpu.memory_space<vmem_shared>> -> memref<80x16xf32, #tpu.memory_space<vmem_shared>>
      %dma_wait3A_879 = arith.constant 0 : i32
      %dma_wait3A_880 = arith.constant 0 : i32
      %dma_wait3A_881 = tpu.memref_slice %arg11[%dma_wait3A_879, %dma_wait3A_880] : memref<10240x16xf32, #tpu.memory_space<vmem_shared>> -> memref<80x16xf32, #tpu.memory_space<vmem_shared>>
      tpu.wait_dma2 semaphore(%arg25 : memref<!tpu.dma_semaphore, #tpu.memory_space<semaphore_mem>>) src(%arg16 : memref<80x16xf32, #tpu.memory_space<vmem>>) dst(%dma_wait3A_881 : memref<80x16xf32, #tpu.memory_space<vmem_shared>>)
      %dma_wait3A_882 = arith.constant 0 : i32
      %dma_wait3A_883 = arith.constant 0 : i32
      %dma_wait3A_884 = tpu.memref_slice %arg12[%dma_wait3A_882, %dma_wait3A_883] : memref<10240x16xf32, #tpu.memory_space<vmem_shared>> -> memref<80x16xf32, #tpu.memory_space<vmem_shared>>
      %dma_wait3A_885 = arith.constant 0 : i32
      %dma_wait3A_886 = arith.constant 0 : i32
      %dma_wait3A_887 = tpu.memref_slice %arg12[%dma_wait3A_885, %dma_wait3A_886] : memref<10240x16xf32, #tpu.memory_space<vmem_shared>> -> memref<80x16xf32, #tpu.memory_space<vmem_shared>>
      tpu.wait_dma2 semaphore(%arg25 : memref<!tpu.dma_semaphore, #tpu.memory_space<semaphore_mem>>) src(%arg19 : memref<80x16xf32, #tpu.memory_space<vmem>>) dst(%dma_wait3A_887 : memref<80x16xf32, #tpu.memory_space<vmem_shared>>)
      %add3A_888 = arith.addi %mul3A_500, %add3A_791 : i32
      %mul3A_889 = arith.constant 80 : i32
      %mul3A_890 = arith.muli %add3A_888, %mul3A_889 : i32
      %dma_start3A_891 = arith.constant 0 : i32
      %dma_start3A_892 = tpu.memref_slice %arg3[%dma_start3A_891, %mul3A_890] : memref<2x320000xi32, #tpu.memory_space<hbm>> -> memref<2x80xi32, #tpu.memory_space<hbm>>
      %dma_start3A_893 = arith.constant 0 : i32
      %dma_start3A_894 = tpu.memref_slice %arg3[%dma_start3A_893, %mul3A_890] : memref<2x320000xi32, #tpu.memory_space<hbm>> -> memref<2x80xi32, #tpu.memory_space<hbm>>
      tpu.enqueue_dma source(%dma_start3A_894 : memref<2x80xi32, #tpu.memory_space<hbm>>) target(%arg14 : memref<2x80xi32, #tpu.memory_space<vmem>>) target_semaphore(%arg21 : memref<!tpu.dma_semaphore, #tpu.memory_space<semaphore_mem>>)
      %dma_wait3A_895 = arith.constant 0 : i32
      %dma_wait3A_896 = arith.constant 0 : i32
      %dma_wait3A_897 = tpu.memref_slice %arg2[%dma_wait3A_895, %dma_wait3A_896] : memref<10000x128xf32, #tpu.memory_space<hbm>> -> memref<80x128xf32, #tpu.memory_space<hbm>>
      %dma_wait3A_898 = arith.constant 0 : i32
      %dma_wait3A_899 = arith.constant 0 : i32
      %dma_wait3A_900 = tpu.memref_slice %arg2[%dma_wait3A_898, %dma_wait3A_899] : memref<10000x128xf32, #tpu.memory_space<hbm>> -> memref<80x128xf32, #tpu.memory_space<hbm>>
      tpu.wait_dma2 semaphore(%arg22 : memref<!tpu.dma_semaphore, #tpu.memory_space<semaphore_mem>>) src(%dma_wait3A_900 : memref<80x128xf32, #tpu.memory_space<hbm>>) dst(%arg17 : memref<80x128xf32, #tpu.memory_space<vmem>>)
      %dma_wait3A_901 = arith.constant 0 : i32
      %dma_wait3A_902 = arith.constant 0 : i32
      %dma_wait3A_903 = tpu.memref_slice %arg4[%dma_wait3A_901, %dma_wait3A_902] : memref<320000x16xf32, #tpu.memory_space<hbm>> -> memref<80x16xf32, #tpu.memory_space<hbm>>
      %dma_wait3A_904 = arith.constant 0 : i32
      %dma_wait3A_905 = arith.constant 0 : i32
      %dma_wait3A_906 = tpu.memref_slice %arg4[%dma_wait3A_904, %dma_wait3A_905] : memref<320000x16xf32, #tpu.memory_space<hbm>> -> memref<80x16xf32, #tpu.memory_space<hbm>>
      tpu.wait_dma2 semaphore(%arg22 : memref<!tpu.dma_semaphore, #tpu.memory_space<semaphore_mem>>) src(%dma_wait3A_906 : memref<80x16xf32, #tpu.memory_space<hbm>>) dst(%arg15 : memref<80x16xf32, #tpu.memory_space<vmem>>)
      %dma_start3A_907 = arith.constant 1 : i32
      %dma_start3A_908 = arith.constant 0 : i32
      %dma_start3A_909 = tpu.memref_slice %arg13[%dma_start3A_907, %dma_start3A_908] : memref<2x80xi32, #tpu.memory_space<vmem>> -> memref<1x80xi32, #tpu.memory_space<vmem>>
      %dma_start3A_910 = tpu.memref_squeeze %dma_start3A_909 : memref<1x80xi32, #tpu.memory_space<vmem>> -> memref<80xi32, #tpu.memory_space<vmem>>
      %dma_start3A_911 = arith.constant 0 : i32
      %dma_start3A_912 = arith.constant 0 : i32
      %dma_start3A_913 = tpu.memref_slice %arg10[%dma_start3A_911, %dma_start3A_912] : memref<10240x128xf32, #tpu.memory_space<vmem_shared>> -> memref<10240x128xf32, #tpu.memory_space<vmem_shared>>
      tpu.enqueue_indirect_dma source(%arg17 : memref<80x128xf32, #tpu.memory_space<vmem>>) target(%dma_start3A_913 : memref<10240x128xf32, #tpu.memory_space<vmem_shared>>) offsets(%dma_start3A_910 : memref<80xi32, #tpu.memory_space<vmem>>) semaphore(%arg24 : memref<!tpu.dma_semaphore, #tpu.memory_space<semaphore_mem>>) {add = true}
      %dma_start3A_914 = arith.constant 1 : i32
      %dma_start3A_915 = arith.constant 0 : i32
      %dma_start3A_916 = tpu.memref_slice %arg13[%dma_start3A_914, %dma_start3A_915] : memref<2x80xi32, #tpu.memory_space<vmem>> -> memref<1x80xi32, #tpu.memory_space<vmem>>
      %dma_start3A_917 = tpu.memref_squeeze %dma_start3A_916 : memref<1x80xi32, #tpu.memory_space<vmem>> -> memref<80xi32, #tpu.memory_space<vmem>>
      %dma_start3A_918 = arith.constant 0 : i32
      %dma_start3A_919 = arith.constant 0 : i32
      %dma_start3A_920 = tpu.memref_slice %arg11[%dma_start3A_918, %dma_start3A_919] : memref<10240x16xf32, #tpu.memory_space<vmem_shared>> -> memref<10240x16xf32, #tpu.memory_space<vmem_shared>>
      tpu.enqueue_indirect_dma source(%arg15 : memref<80x16xf32, #tpu.memory_space<vmem>>) target(%dma_start3A_920 : memref<10240x16xf32, #tpu.memory_space<vmem_shared>>) offsets(%dma_start3A_917 : memref<80xi32, #tpu.memory_space<vmem>>) semaphore(%arg24 : memref<!tpu.dma_semaphore, #tpu.memory_space<semaphore_mem>>) {add = true}
      %dma_start3A_921 = arith.constant 1 : i32
      %dma_start3A_922 = arith.constant 0 : i32
      %dma_start3A_923 = tpu.memref_slice %arg13[%dma_start3A_921, %dma_start3A_922] : memref<2x80xi32, #tpu.memory_space<vmem>> -> memref<1x80xi32, #tpu.memory_space<vmem>>
      %dma_start3A_924 = tpu.memref_squeeze %dma_start3A_923 : memref<1x80xi32, #tpu.memory_space<vmem>> -> memref<80xi32, #tpu.memory_space<vmem>>
      %dma_start3A_925 = arith.constant 0 : i32
      %dma_start3A_926 = arith.constant 0 : i32
      %dma_start3A_927 = tpu.memref_slice %arg12[%dma_start3A_925, %dma_start3A_926] : memref<10240x16xf32, #tpu.memory_space<vmem_shared>> -> memref<10240x16xf32, #tpu.memory_space<vmem_shared>>
      tpu.enqueue_indirect_dma source(%arg19 : memref<80x16xf32, #tpu.memory_space<vmem>>) target(%dma_start3A_927 : memref<10240x16xf32, #tpu.memory_space<vmem_shared>>) offsets(%dma_start3A_924 : memref<80xi32, #tpu.memory_space<vmem>>) semaphore(%arg24 : memref<!tpu.dma_semaphore, #tpu.memory_space<semaphore_mem>>) {add = true}
      %dma_wait3A_928 = arith.constant 0 : i32
      %dma_wait3A_929 = arith.constant 0 : i32
      %dma_wait3A_930 = tpu.memref_slice %arg3[%dma_wait3A_928, %dma_wait3A_929] : memref<2x320000xi32, #tpu.memory_space<hbm>> -> memref<2x80xi32, #tpu.memory_space<hbm>>
      %dma_wait3A_931 = arith.constant 0 : i32
      %dma_wait3A_932 = arith.constant 0 : i32
      %dma_wait3A_933 = tpu.memref_slice %arg3[%dma_wait3A_931, %dma_wait3A_932] : memref<2x320000xi32, #tpu.memory_space<hbm>> -> memref<2x80xi32, #tpu.memory_space<hbm>>
      tpu.wait_dma2 semaphore(%arg21 : memref<!tpu.dma_semaphore, #tpu.memory_space<semaphore_mem>>) src(%dma_wait3A_933 : memref<2x80xi32, #tpu.memory_space<hbm>>) dst(%arg14 : memref<2x80xi32, #tpu.memory_space<vmem>>)
      %dma_start3A_934 = arith.constant 0 : i32
      %dma_start3A_935 = arith.constant 0 : i32
      %dma_start3A_936 = tpu.memref_slice %arg14[%dma_start3A_934, %dma_start3A_935] : memref<2x80xi32, #tpu.memory_space<vmem>> -> memref<1x80xi32, #tpu.memory_space<vmem>>
      %dma_start3A_937 = tpu.memref_squeeze %dma_start3A_936 : memref<1x80xi32, #tpu.memory_space<vmem>> -> memref<80xi32, #tpu.memory_space<vmem>>
      %dma_start3A_938 = arith.constant 0 : i32
      %dma_start3A_939 = arith.constant 0 : i32
      %dma_start3A_940 = tpu.memref_slice %arg2[%dma_start3A_938, %dma_start3A_939] : memref<10000x128xf32, #tpu.memory_space<hbm>> -> memref<10000x128xf32, #tpu.memory_space<hbm>>
      tpu.enqueue_indirect_dma source(%dma_start3A_940 : memref<10000x128xf32, #tpu.memory_space<hbm>>) target(%arg18 : memref<80x128xf32, #tpu.memory_space<vmem>>) offsets(%dma_start3A_937 : memref<80xi32, #tpu.memory_space<vmem>>) semaphore(%arg23 : memref<!tpu.dma_semaphore, #tpu.memory_space<semaphore_mem>>)
      %add3A_941 = arith.addi %mul3A_500, %add3A_791 : i32
      %mul3A_942 = arith.constant 80 : i32
      %mul3A_943 = arith.muli %add3A_941, %mul3A_942 : i32
      %dma_start3A_944 = arith.constant 0 : i32
      %dma_start3A_945 = tpu.memref_slice %arg4[%mul3A_943, %dma_start3A_944] : memref<320000x16xf32, #tpu.memory_space<hbm>> -> memref<80x16xf32, #tpu.memory_space<hbm>>
      %dma_start3A_946 = arith.constant 0 : i32
      %dma_start3A_947 = tpu.memref_slice %arg4[%mul3A_943, %dma_start3A_946] : memref<320000x16xf32, #tpu.memory_space<hbm>> -> memref<80x16xf32, #tpu.memory_space<hbm>>
      tpu.enqueue_dma source(%dma_start3A_947 : memref<80x16xf32, #tpu.memory_space<hbm>>) target(%arg16 : memref<80x16xf32, #tpu.memory_space<vmem>>) target_semaphore(%arg23 : memref<!tpu.dma_semaphore, #tpu.memory_space<semaphore_mem>>)
    }
    %scan3A_593 = arith.constant 61 : i32
    %dma_wait3A_594 = arith.constant 0 : i32
    %dma_wait3A_595 = arith.constant 0 : i32
    %dma_wait3A_596 = tpu.memref_slice %arg10[%dma_wait3A_594, %dma_wait3A_595] : memref<10240x128xf32, #tpu.memory_space<vmem_shared>> -> memref<80x128xf32, #tpu.memory_space<vmem_shared>>
    %dma_wait3A_597 = arith.constant 0 : i32
    %dma_wait3A_598 = arith.constant 0 : i32
    %dma_wait3A_599 = tpu.memref_slice %arg10[%dma_wait3A_597, %dma_wait3A_598] : memref<10240x128xf32, #tpu.memory_space<vmem_shared>> -> memref<80x128xf32, #tpu.memory_space<vmem_shared>>
    tpu.wait_dma2 semaphore(%arg24 : memref<!tpu.dma_semaphore, #tpu.memory_space<semaphore_mem>>) src(%arg17 : memref<80x128xf32, #tpu.memory_space<vmem>>) dst(%dma_wait3A_599 : memref<80x128xf32, #tpu.memory_space<vmem_shared>>)
    %dma_wait3A_600 = arith.constant 0 : i32
    %dma_wait3A_601 = arith.constant 0 : i32
    %dma_wait3A_602 = tpu.memref_slice %arg11[%dma_wait3A_600, %dma_wait3A_601] : memref<10240x16xf32, #tpu.memory_space<vmem_shared>> -> memref<80x16xf32, #tpu.memory_space<vmem_shared>>
    %dma_wait3A_603 = arith.constant 0 : i32
    %dma_wait3A_604 = arith.constant 0 : i32
    %dma_wait3A_605 = tpu.memref_slice %arg11[%dma_wait3A_603, %dma_wait3A_604] : memref<10240x16xf32, #tpu.memory_space<vmem_shared>> -> memref<80x16xf32, #tpu.memory_space<vmem_shared>>
    tpu.wait_dma2 semaphore(%arg24 : memref<!tpu.dma_semaphore, #tpu.memory_space<semaphore_mem>>) src(%arg15 : memref<80x16xf32, #tpu.memory_space<vmem>>) dst(%dma_wait3A_605 : memref<80x16xf32, #tpu.memory_space<vmem_shared>>)
    %dma_wait3A_606 = arith.constant 0 : i32
    %dma_wait3A_607 = arith.constant 0 : i32
    %dma_wait3A_608 = tpu.memref_slice %arg12[%dma_wait3A_606, %dma_wait3A_607] : memref<10240x16xf32, #tpu.memory_space<vmem_shared>> -> memref<80x16xf32, #tpu.memory_space<vmem_shared>>
    %dma_wait3A_609 = arith.constant 0 : i32
    %dma_wait3A_610 = arith.constant 0 : i32
    %dma_wait3A_611 = tpu.memref_slice %arg12[%dma_wait3A_609, %dma_wait3A_610] : memref<10240x16xf32, #tpu.memory_space<vmem_shared>> -> memref<80x16xf32, #tpu.memory_space<vmem_shared>>
    tpu.wait_dma2 semaphore(%arg24 : memref<!tpu.dma_semaphore, #tpu.memory_space<semaphore_mem>>) src(%arg19 : memref<80x16xf32, #tpu.memory_space<vmem>>) dst(%dma_wait3A_611 : memref<80x16xf32, #tpu.memory_space<vmem_shared>>)
    %add3A_612 = arith.constant 124 : i32
    %add3A_613 = arith.addi %mul3A_500, %add3A_612 : i32
    %mul3A_614 = arith.constant 80 : i32
    %mul3A_615 = arith.muli %add3A_613, %mul3A_614 : i32
    %dma_start3A_616 = arith.constant 0 : i32
    %dma_start3A_617 = tpu.memref_slice %arg3[%dma_start3A_616, %mul3A_615] : memref<2x320000xi32, #tpu.memory_space<hbm>> -> memref<2x80xi32, #tpu.memory_space<hbm>>
    %dma_start3A_618 = arith.constant 0 : i32
    %dma_start3A_619 = tpu.memref_slice %arg3[%dma_start3A_618, %mul3A_615] : memref<2x320000xi32, #tpu.memory_space<hbm>> -> memref<2x80xi32, #tpu.memory_space<hbm>>
    tpu.enqueue_dma source(%dma_start3A_619 : memref<2x80xi32, #tpu.memory_space<hbm>>) target(%arg13 : memref<2x80xi32, #tpu.memory_space<vmem>>) target_semaphore(%arg20 : memref<!tpu.dma_semaphore, #tpu.memory_space<semaphore_mem>>)
    %dma_wait3A_620 = arith.constant 0 : i32
    %dma_wait3A_621 = arith.constant 0 : i32
    %dma_wait3A_622 = tpu.memref_slice %arg2[%dma_wait3A_620, %dma_wait3A_621] : memref<10000x128xf32, #tpu.memory_space<hbm>> -> memref<80x128xf32, #tpu.memory_space<hbm>>
    %dma_wait3A_623 = arith.constant 0 : i32
    %dma_wait3A_624 = arith.constant 0 : i32
    %dma_wait3A_625 = tpu.memref_slice %arg2[%dma_wait3A_623, %dma_wait3A_624] : memref<10000x128xf32, #tpu.memory_space<hbm>> -> memref<80x128xf32, #tpu.memory_space<hbm>>
    tpu.wait_dma2 semaphore(%arg23 : memref<!tpu.dma_semaphore, #tpu.memory_space<semaphore_mem>>) src(%dma_wait3A_625 : memref<80x128xf32, #tpu.memory_space<hbm>>) dst(%arg18 : memref<80x128xf32, #tpu.memory_space<vmem>>)
    %dma_wait3A_626 = arith.constant 0 : i32
    %dma_wait3A_627 = arith.constant 0 : i32
    %dma_wait3A_628 = tpu.memref_slice %arg4[%dma_wait3A_626, %dma_wait3A_627] : memref<320000x16xf32, #tpu.memory_space<hbm>> -> memref<80x16xf32, #tpu.memory_space<hbm>>
    %dma_wait3A_629 = arith.constant 0 : i32
    %dma_wait3A_630 = arith.constant 0 : i32
    %dma_wait3A_631 = tpu.memref_slice %arg4[%dma_wait3A_629, %dma_wait3A_630] : memref<320000x16xf32, #tpu.memory_space<hbm>> -> memref<80x16xf32, #tpu.memory_space<hbm>>
    tpu.wait_dma2 semaphore(%arg23 : memref<!tpu.dma_semaphore, #tpu.memory_space<semaphore_mem>>) src(%dma_wait3A_631 : memref<80x16xf32, #tpu.memory_space<hbm>>) dst(%arg16 : memref<80x16xf32, #tpu.memory_space<vmem>>)
    %dma_start3A_632 = arith.constant 1 : i32
    %dma_start3A_633 = arith.constant 0 : i32
    %dma_start3A_634 = tpu.memref_slice %arg14[%dma_start3A_632, %dma_start3A_633] : memref<2x80xi32, #tpu.memory_space<vmem>> -> memref<1x80xi32, #tpu.memory_space<vmem>>
    %dma_start3A_635 = tpu.memref_squeeze %dma_start3A_634 : memref<1x80xi32, #tpu.memory_space<vmem>> -> memref<80xi32, #tpu.memory_space<vmem>>
    %dma_start3A_636 = arith.constant 0 : i32
    %dma_start3A_637 = arith.constant 0 : i32
    %dma_start3A_638 = tpu.memref_slice %arg10[%dma_start3A_636, %dma_start3A_637] : memref<10240x128xf32, #tpu.memory_space<vmem_shared>> -> memref<10240x128xf32, #tpu.memory_space<vmem_shared>>
    tpu.enqueue_indirect_dma source(%arg18 : memref<80x128xf32, #tpu.memory_space<vmem>>) target(%dma_start3A_638 : memref<10240x128xf32, #tpu.memory_space<vmem_shared>>) offsets(%dma_start3A_635 : memref<80xi32, #tpu.memory_space<vmem>>) semaphore(%arg25 : memref<!tpu.dma_semaphore, #tpu.memory_space<semaphore_mem>>) {add = true}
    %dma_start3A_639 = arith.constant 1 : i32
    %dma_start3A_640 = arith.constant 0 : i32
    %dma_start3A_641 = tpu.memref_slice %arg14[%dma_start3A_639, %dma_start3A_640] : memref<2x80xi32, #tpu.memory_space<vmem>> -> memref<1x80xi32, #tpu.memory_space<vmem>>
    %dma_start3A_642 = tpu.memref_squeeze %dma_start3A_641 : memref<1x80xi32, #tpu.memory_space<vmem>> -> memref<80xi32, #tpu.memory_space<vmem>>
    %dma_start3A_643 = arith.constant 0 : i32
    %dma_start3A_644 = arith.constant 0 : i32
    %dma_start3A_645 = tpu.memref_slice %arg11[%dma_start3A_643, %dma_start3A_644] : memref<10240x16xf32, #tpu.memory_space<vmem_shared>> -> memref<10240x16xf32, #tpu.memory_space<vmem_shared>>
    tpu.enqueue_indirect_dma source(%arg16 : memref<80x16xf32, #tpu.memory_space<vmem>>) target(%dma_start3A_645 : memref<10240x16xf32, #tpu.memory_space<vmem_shared>>) offsets(%dma_start3A_642 : memref<80xi32, #tpu.memory_space<vmem>>) semaphore(%arg25 : memref<!tpu.dma_semaphore, #tpu.memory_space<semaphore_mem>>) {add = true}
    %dma_start3A_646 = arith.constant 1 : i32
    %dma_start3A_647 = arith.constant 0 : i32
    %dma_start3A_648 = tpu.memref_slice %arg14[%dma_start3A_646, %dma_start3A_647] : memref<2x80xi32, #tpu.memory_space<vmem>> -> memref<1x80xi32, #tpu.memory_space<vmem>>
    %dma_start3A_649 = tpu.memref_squeeze %dma_start3A_648 : memref<1x80xi32, #tpu.memory_space<vmem>> -> memref<80xi32, #tpu.memory_space<vmem>>
    %dma_start3A_650 = arith.constant 0 : i32
    %dma_start3A_651 = arith.constant 0 : i32
    %dma_start3A_652 = tpu.memref_slice %arg12[%dma_start3A_650, %dma_start3A_651] : memref<10240x16xf32, #tpu.memory_space<vmem_shared>> -> memref<10240x16xf32, #tpu.memory_space<vmem_shared>>
    tpu.enqueue_indirect_dma source(%arg19 : memref<80x16xf32, #tpu.memory_space<vmem>>) target(%dma_start3A_652 : memref<10240x16xf32, #tpu.memory_space<vmem_shared>>) offsets(%dma_start3A_649 : memref<80xi32, #tpu.memory_space<vmem>>) semaphore(%arg25 : memref<!tpu.dma_semaphore, #tpu.memory_space<semaphore_mem>>) {add = true}
    %dma_wait3A_653 = arith.constant 0 : i32
    %dma_wait3A_654 = arith.constant 0 : i32
    %dma_wait3A_655 = tpu.memref_slice %arg3[%dma_wait3A_653, %dma_wait3A_654] : memref<2x320000xi32, #tpu.memory_space<hbm>> -> memref<2x80xi32, #tpu.memory_space<hbm>>
    %dma_wait3A_656 = arith.constant 0 : i32
    %dma_wait3A_657 = arith.constant 0 : i32
    %dma_wait3A_658 = tpu.memref_slice %arg3[%dma_wait3A_656, %dma_wait3A_657] : memref<2x320000xi32, #tpu.memory_space<hbm>> -> memref<2x80xi32, #tpu.memory_space<hbm>>
    tpu.wait_dma2 semaphore(%arg20 : memref<!tpu.dma_semaphore, #tpu.memory_space<semaphore_mem>>) src(%dma_wait3A_658 : memref<2x80xi32, #tpu.memory_space<hbm>>) dst(%arg13 : memref<2x80xi32, #tpu.memory_space<vmem>>)
    %dma_start3A_659 = arith.constant 0 : i32
    %dma_start3A_660 = arith.constant 0 : i32
    %dma_start3A_661 = tpu.memref_slice %arg13[%dma_start3A_659, %dma_start3A_660] : memref<2x80xi32, #tpu.memory_space<vmem>> -> memref<1x80xi32, #tpu.memory_space<vmem>>
    %dma_start3A_662 = tpu.memref_squeeze %dma_start3A_661 : memref<1x80xi32, #tpu.memory_space<vmem>> -> memref<80xi32, #tpu.memory_space<vmem>>
    %dma_start3A_663 = arith.constant 0 : i32
    %dma_start3A_664 = arith.constant 0 : i32
    %dma_start3A_665 = tpu.memref_slice %arg2[%dma_start3A_663, %dma_start3A_664] : memref<10000x128xf32, #tpu.memory_space<hbm>> -> memref<10000x128xf32, #tpu.memory_space<hbm>>
    tpu.enqueue_indirect_dma source(%dma_start3A_665 : memref<10000x128xf32, #tpu.memory_space<hbm>>) target(%arg17 : memref<80x128xf32, #tpu.memory_space<vmem>>) offsets(%dma_start3A_662 : memref<80xi32, #tpu.memory_space<vmem>>) semaphore(%arg22 : memref<!tpu.dma_semaphore, #tpu.memory_space<semaphore_mem>>)
    %add3A_666 = arith.constant 124 : i32
    %add3A_667 = arith.addi %mul3A_500, %add3A_666 : i32
    %mul3A_668 = arith.constant 80 : i32
    %mul3A_669 = arith.muli %add3A_667, %mul3A_668 : i32
    %dma_start3A_670 = arith.constant 0 : i32
    %dma_start3A_671 = tpu.memref_slice %arg4[%mul3A_669, %dma_start3A_670] : memref<320000x16xf32, #tpu.memory_space<hbm>> -> memref<80x16xf32, #tpu.memory_space<hbm>>
    %dma_start3A_672 = arith.constant 0 : i32
    %dma_start3A_673 = tpu.memref_slice %arg4[%mul3A_669, %dma_start3A_672] : memref<320000x16xf32, #tpu.memory_space<hbm>> -> memref<80x16xf32, #tpu.memory_space<hbm>>
    tpu.enqueue_dma source(%dma_start3A_673 : memref<80x16xf32, #tpu.memory_space<hbm>>) target(%arg15 : memref<80x16xf32, #tpu.memory_space<vmem>>) target_semaphore(%arg22 : memref<!tpu.dma_semaphore, #tpu.memory_space<semaphore_mem>>)
    %dma_wait3A_674 = arith.constant 0 : i32
    %dma_wait3A_675 = arith.constant 0 : i32
    %dma_wait3A_676 = tpu.memref_slice %arg2[%dma_wait3A_674, %dma_wait3A_675] : memref<10000x128xf32, #tpu.memory_space<hbm>> -> memref<80x128xf32, #tpu.memory_space<hbm>>
    %dma_wait3A_677 = arith.constant 0 : i32
    %dma_wait3A_678 = arith.constant 0 : i32
    %dma_wait3A_679 = tpu.memref_slice %arg2[%dma_wait3A_677, %dma_wait3A_678] : memref<10000x128xf32, #tpu.memory_space<hbm>> -> memref<80x128xf32, #tpu.memory_space<hbm>>
    tpu.wait_dma2 semaphore(%arg22 : memref<!tpu.dma_semaphore, #tpu.memory_space<semaphore_mem>>) src(%dma_wait3A_679 : memref<80x128xf32, #tpu.memory_space<hbm>>) dst(%arg17 : memref<80x128xf32, #tpu.memory_space<vmem>>)
    %dma_wait3A_680 = arith.constant 0 : i32
    %dma_wait3A_681 = arith.constant 0 : i32
    %dma_wait3A_682 = tpu.memref_slice %arg4[%dma_wait3A_680, %dma_wait3A_681] : memref<320000x16xf32, #tpu.memory_space<hbm>> -> memref<80x16xf32, #tpu.memory_space<hbm>>
    %dma_wait3A_683 = arith.constant 0 : i32
    %dma_wait3A_684 = arith.constant 0 : i32
    %dma_wait3A_685 = tpu.memref_slice %arg4[%dma_wait3A_683, %dma_wait3A_684] : memref<320000x16xf32, #tpu.memory_space<hbm>> -> memref<80x16xf32, #tpu.memory_space<hbm>>
    tpu.wait_dma2 semaphore(%arg22 : memref<!tpu.dma_semaphore, #tpu.memory_space<semaphore_mem>>) src(%dma_wait3A_685 : memref<80x16xf32, #tpu.memory_space<hbm>>) dst(%arg15 : memref<80x16xf32, #tpu.memory_space<vmem>>)
    %dma_start3A_686 = arith.constant 1 : i32
    %dma_start3A_687 = arith.constant 0 : i32
    %dma_start3A_688 = tpu.memref_slice %arg13[%dma_start3A_686, %dma_start3A_687] : memref<2x80xi32, #tpu.memory_space<vmem>> -> memref<1x80xi32, #tpu.memory_space<vmem>>
    %dma_start3A_689 = tpu.memref_squeeze %dma_start3A_688 : memref<1x80xi32, #tpu.memory_space<vmem>> -> memref<80xi32, #tpu.memory_space<vmem>>
    %dma_start3A_690 = arith.constant 0 : i32
    %dma_start3A_691 = arith.constant 0 : i32
    %dma_start3A_692 = tpu.memref_slice %arg10[%dma_start3A_690, %dma_start3A_691] : memref<10240x128xf32, #tpu.memory_space<vmem_shared>> -> memref<10240x128xf32, #tpu.memory_space<vmem_shared>>
    tpu.enqueue_indirect_dma source(%arg17 : memref<80x128xf32, #tpu.memory_space<vmem>>) target(%dma_start3A_692 : memref<10240x128xf32, #tpu.memory_space<vmem_shared>>) offsets(%dma_start3A_689 : memref<80xi32, #tpu.memory_space<vmem>>) semaphore(%arg24 : memref<!tpu.dma_semaphore, #tpu.memory_space<semaphore_mem>>) {add = true}
    %dma_start3A_693 = arith.constant 1 : i32
    %dma_start3A_694 = arith.constant 0 : i32
    %dma_start3A_695 = tpu.memref_slice %arg13[%dma_start3A_693, %dma_start3A_694] : memref<2x80xi32, #tpu.memory_space<vmem>> -> memref<1x80xi32, #tpu.memory_space<vmem>>
    %dma_start3A_696 = tpu.memref_squeeze %dma_start3A_695 : memref<1x80xi32, #tpu.memory_space<vmem>> -> memref<80xi32, #tpu.memory_space<vmem>>
    %dma_start3A_697 = arith.constant 0 : i32
    %dma_start3A_698 = arith.constant 0 : i32
    %dma_start3A_699 = tpu.memref_slice %arg11[%dma_start3A_697, %dma_start3A_698] : memref<10240x16xf32, #tpu.memory_space<vmem_shared>> -> memref<10240x16xf32, #tpu.memory_space<vmem_shared>>
    tpu.enqueue_indirect_dma source(%arg15 : memref<80x16xf32, #tpu.memory_space<vmem>>) target(%dma_start3A_699 : memref<10240x16xf32, #tpu.memory_space<vmem_shared>>) offsets(%dma_start3A_696 : memref<80xi32, #tpu.memory_space<vmem>>) semaphore(%arg24 : memref<!tpu.dma_semaphore, #tpu.memory_space<semaphore_mem>>) {add = true}
    %dma_start3A_700 = arith.constant 1 : i32
    %dma_start3A_701 = arith.constant 0 : i32
    %dma_start3A_702 = tpu.memref_slice %arg13[%dma_start3A_700, %dma_start3A_701] : memref<2x80xi32, #tpu.memory_space<vmem>> -> memref<1x80xi32, #tpu.memory_space<vmem>>
    %dma_start3A_703 = tpu.memref_squeeze %dma_start3A_702 : memref<1x80xi32, #tpu.memory_space<vmem>> -> memref<80xi32, #tpu.memory_space<vmem>>
    %dma_start3A_704 = arith.constant 0 : i32
    %dma_start3A_705 = arith.constant 0 : i32
    %dma_start3A_706 = tpu.memref_slice %arg12[%dma_start3A_704, %dma_start3A_705] : memref<10240x16xf32, #tpu.memory_space<vmem_shared>> -> memref<10240x16xf32, #tpu.memory_space<vmem_shared>>
    tpu.enqueue_indirect_dma source(%arg19 : memref<80x16xf32, #tpu.memory_space<vmem>>) target(%dma_start3A_706 : memref<10240x16xf32, #tpu.memory_space<vmem_shared>>) offsets(%dma_start3A_703 : memref<80xi32, #tpu.memory_space<vmem>>) semaphore(%arg24 : memref<!tpu.dma_semaphore, #tpu.memory_space<semaphore_mem>>) {add = true}
    %dma_wait3A_707 = arith.constant 0 : i32
    %dma_wait3A_708 = arith.constant 0 : i32
    %dma_wait3A_709 = tpu.memref_slice %arg10[%dma_wait3A_707, %dma_wait3A_708] : memref<10240x128xf32, #tpu.memory_space<vmem_shared>> -> memref<80x128xf32, #tpu.memory_space<vmem_shared>>
    %dma_wait3A_710 = arith.constant 0 : i32
    %dma_wait3A_711 = arith.constant 0 : i32
    %dma_wait3A_712 = tpu.memref_slice %arg10[%dma_wait3A_710, %dma_wait3A_711] : memref<10240x128xf32, #tpu.memory_space<vmem_shared>> -> memref<80x128xf32, #tpu.memory_space<vmem_shared>>
    tpu.wait_dma2 semaphore(%arg25 : memref<!tpu.dma_semaphore, #tpu.memory_space<semaphore_mem>>) src(%arg18 : memref<80x128xf32, #tpu.memory_space<vmem>>) dst(%dma_wait3A_712 : memref<80x128xf32, #tpu.memory_space<vmem_shared>>)
    %dma_wait3A_713 = arith.constant 0 : i32
    %dma_wait3A_714 = arith.constant 0 : i32
    %dma_wait3A_715 = tpu.memref_slice %arg11[%dma_wait3A_713, %dma_wait3A_714] : memref<10240x16xf32, #tpu.memory_space<vmem_shared>> -> memref<80x16xf32, #tpu.memory_space<vmem_shared>>
    %dma_wait3A_716 = arith.constant 0 : i32
    %dma_wait3A_717 = arith.constant 0 : i32
    %dma_wait3A_718 = tpu.memref_slice %arg11[%dma_wait3A_716, %dma_wait3A_717] : memref<10240x16xf32, #tpu.memory_space<vmem_shared>> -> memref<80x16xf32, #tpu.memory_space<vmem_shared>>
    tpu.wait_dma2 semaphore(%arg25 : memref<!tpu.dma_semaphore, #tpu.memory_space<semaphore_mem>>) src(%arg16 : memref<80x16xf32, #tpu.memory_space<vmem>>) dst(%dma_wait3A_718 : memref<80x16xf32, #tpu.memory_space<vmem_shared>>)
    %dma_wait3A_719 = arith.constant 0 : i32
    %dma_wait3A_720 = arith.constant 0 : i32
    %dma_wait3A_721 = tpu.memref_slice %arg12[%dma_wait3A_719, %dma_wait3A_720] : memref<10240x16xf32, #tpu.memory_space<vmem_shared>> -> memref<80x16xf32, #tpu.memory_space<vmem_shared>>
    %dma_wait3A_722 = arith.constant 0 : i32
    %dma_wait3A_723 = arith.constant 0 : i32
    %dma_wait3A_724 = tpu.memref_slice %arg12[%dma_wait3A_722, %dma_wait3A_723] : memref<10240x16xf32, #tpu.memory_space<vmem_shared>> -> memref<80x16xf32, #tpu.memory_space<vmem_shared>>
    tpu.wait_dma2 semaphore(%arg25 : memref<!tpu.dma_semaphore, #tpu.memory_space<semaphore_mem>>) src(%arg19 : memref<80x16xf32, #tpu.memory_space<vmem>>) dst(%dma_wait3A_724 : memref<80x16xf32, #tpu.memory_space<vmem_shared>>)
    %dma_wait3A_725 = arith.constant 0 : i32
    %dma_wait3A_726 = arith.constant 0 : i32
    %dma_wait3A_727 = tpu.memref_slice %arg10[%dma_wait3A_725, %dma_wait3A_726] : memref<10240x128xf32, #tpu.memory_space<vmem_shared>> -> memref<80x128xf32, #tpu.memory_space<vmem_shared>>
    %dma_wait3A_728 = arith.constant 0 : i32
    %dma_wait3A_729 = arith.constant 0 : i32
    %dma_wait3A_730 = tpu.memref_slice %arg10[%dma_wait3A_728, %dma_wait3A_729] : memref<10240x128xf32, #tpu.memory_space<vmem_shared>> -> memref<80x128xf32, #tpu.memory_space<vmem_shared>>
    tpu.wait_dma2 semaphore(%arg24 : memref<!tpu.dma_semaphore, #tpu.memory_space<semaphore_mem>>) src(%arg17 : memref<80x128xf32, #tpu.memory_space<vmem>>) dst(%dma_wait3A_730 : memref<80x128xf32, #tpu.memory_space<vmem_shared>>)
    %dma_wait3A_731 = arith.constant 0 : i32
    %dma_wait3A_732 = arith.constant 0 : i32
    %dma_wait3A_733 = tpu.memref_slice %arg11[%dma_wait3A_731, %dma_wait3A_732] : memref<10240x16xf32, #tpu.memory_space<vmem_shared>> -> memref<80x16xf32, #tpu.memory_space<vmem_shared>>
    %dma_wait3A_734 = arith.constant 0 : i32
    %dma_wait3A_735 = arith.constant 0 : i32
    %dma_wait3A_736 = tpu.memref_slice %arg11[%dma_wait3A_734, %dma_wait3A_735] : memref<10240x16xf32, #tpu.memory_space<vmem_shared>> -> memref<80x16xf32, #tpu.memory_space<vmem_shared>>
    tpu.wait_dma2 semaphore(%arg24 : memref<!tpu.dma_semaphore, #tpu.memory_space<semaphore_mem>>) src(%arg15 : memref<80x16xf32, #tpu.memory_space<vmem>>) dst(%dma_wait3A_736 : memref<80x16xf32, #tpu.memory_space<vmem_shared>>)
    %dma_wait3A_737 = arith.constant 0 : i32
    %dma_wait3A_738 = arith.constant 0 : i32
    %dma_wait3A_739 = tpu.memref_slice %arg12[%dma_wait3A_737, %dma_wait3A_738] : memref<10240x16xf32, #tpu.memory_space<vmem_shared>> -> memref<80x16xf32, #tpu.memory_space<vmem_shared>>
    %dma_wait3A_740 = arith.constant 0 : i32
    %dma_wait3A_741 = arith.constant 0 : i32
    %dma_wait3A_742 = tpu.memref_slice %arg12[%dma_wait3A_740, %dma_wait3A_741] : memref<10240x16xf32, #tpu.memory_space<vmem_shared>> -> memref<80x16xf32, #tpu.memory_space<vmem_shared>>
    tpu.wait_dma2 semaphore(%arg24 : memref<!tpu.dma_semaphore, #tpu.memory_space<semaphore_mem>>) src(%arg19 : memref<80x16xf32, #tpu.memory_space<vmem>>) dst(%dma_wait3A_742 : memref<80x16xf32, #tpu.memory_space<vmem_shared>>)
    %barrier3A_743 = arith.constant 0 : index
    tpu.barrier barrier_id(%barrier3A_743)
    %mul3A_744 = arith.constant 10240 : i32
    %mul3A_745 = arith.muli %arg0, %mul3A_744 : i32
    %add3A_746 = arith.addi %mul3A_745, %mul3A_2 : i32
    %add3A_747 = arith.constant 0 : i32
    %add3A_748 = arith.addi %mul3A_2, %add3A_747 : i32
    %add3A_749 = arith.constant 0 : i32
    %add3A_750 = arith.addi %add3A_746, %add3A_749 : i32
    "tpu.region"() ({
      %run_scoped3A = tpu.sem_alloc : memref<!tpu.dma_semaphore, #tpu.memory_space<semaphore_mem>>
      %dma_start3A_779 = arith.constant 0 : i32
      %dma_start3A_780 = tpu.memref_slice %arg7[%add3A_750, %dma_start3A_779] : memref<20480x128xf32, #tpu.memory_space<hbm>> -> memref<80x128xf32, #tpu.memory_space<hbm>>
      %dma_start3A_781 = arith.constant 0 : i32
      %dma_start3A_782 = tpu.memref_slice %arg10[%add3A_748, %dma_start3A_781] : memref<10240x128xf32, #tpu.memory_space<vmem_shared>> -> memref<80x128xf32, #tpu.memory_space<vmem_shared>>
      tpu.enqueue_dma source(%dma_start3A_782 : memref<80x128xf32, #tpu.memory_space<vmem_shared>>) target(%dma_start3A_780 : memref<80x128xf32, #tpu.memory_space<hbm>>) target_semaphore(%run_scoped3A : memref<!tpu.dma_semaphore, #tpu.memory_space<semaphore_mem>>)
      %dma_wait3A_783 = arith.constant 0 : i32
      %dma_wait3A_784 = tpu.memref_slice %arg7[%add3A_750, %dma_wait3A_783] : memref<20480x128xf32, #tpu.memory_space<hbm>> -> memref<80x128xf32, #tpu.memory_space<hbm>>
      %dma_wait3A_785 = arith.constant 0 : i32
      %dma_wait3A_786 = tpu.memref_slice %arg10[%add3A_748, %dma_wait3A_785] : memref<10240x128xf32, #tpu.memory_space<vmem_shared>> -> memref<80x128xf32, #tpu.memory_space<vmem_shared>>
      tpu.wait_dma2 semaphore(%run_scoped3A : memref<!tpu.dma_semaphore, #tpu.memory_space<semaphore_mem>>) src(%dma_wait3A_786 : memref<80x128xf32, #tpu.memory_space<vmem_shared>>) dst(%dma_wait3A_784 : memref<80x128xf32, #tpu.memory_space<hbm>>)
      tpu.yield
    }) : () -> ()
    %add3A_751 = arith.constant 80 : i32
    %add3A_752 = arith.addi %mul3A_2, %add3A_751 : i32
    %add3A_753 = arith.constant 80 : i32
    %add3A_754 = arith.addi %add3A_746, %add3A_753 : i32
    "tpu.region"() ({
      %run_scoped3A = tpu.sem_alloc : memref<!tpu.dma_semaphore, #tpu.memory_space<semaphore_mem>>
      %dma_start3A_779 = arith.constant 0 : i32
      %dma_start3A_780 = tpu.memref_slice %arg7[%add3A_754, %dma_start3A_779] : memref<20480x128xf32, #tpu.memory_space<hbm>> -> memref<80x128xf32, #tpu.memory_space<hbm>>
      %dma_start3A_781 = arith.constant 0 : i32
      %dma_start3A_782 = tpu.memref_slice %arg10[%add3A_752, %dma_start3A_781] : memref<10240x128xf32, #tpu.memory_space<vmem_shared>> -> memref<80x128xf32, #tpu.memory_space<vmem_shared>>
      tpu.enqueue_dma source(%dma_start3A_782 : memref<80x128xf32, #tpu.memory_space<vmem_shared>>) target(%dma_start3A_780 : memref<80x128xf32, #tpu.memory_space<hbm>>) target_semaphore(%run_scoped3A : memref<!tpu.dma_semaphore, #tpu.memory_space<semaphore_mem>>)
      %dma_wait3A_783 = arith.constant 0 : i32
      %dma_wait3A_784 = tpu.memref_slice %arg7[%add3A_754, %dma_wait3A_783] : memref<20480x128xf32, #tpu.memory_space<hbm>> -> memref<80x128xf32, #tpu.memory_space<hbm>>
      %dma_wait3A_785 = arith.constant 0 : i32
      %dma_wait3A_786 = tpu.memref_slice %arg10[%add3A_752, %dma_wait3A_785] : memref<10240x128xf32, #tpu.memory_space<vmem_shared>> -> memref<80x128xf32, #tpu.memory_space<vmem_shared>>
      tpu.wait_dma2 semaphore(%run_scoped3A : memref<!tpu.dma_semaphore, #tpu.memory_space<semaphore_mem>>) src(%dma_wait3A_786 : memref<80x128xf32, #tpu.memory_space<vmem_shared>>) dst(%dma_wait3A_784 : memref<80x128xf32, #tpu.memory_space<hbm>>)
      tpu.yield
    }) : () -> ()
    %add3A_755 = arith.constant 160 : i32
    %add3A_756 = arith.addi %mul3A_2, %add3A_755 : i32
    %add3A_757 = arith.constant 160 : i32
    %add3A_758 = arith.addi %add3A_746, %add3A_757 : i32
    "tpu.region"() ({
      %run_scoped3A = tpu.sem_alloc : memref<!tpu.dma_semaphore, #tpu.memory_space<semaphore_mem>>
      %dma_start3A_779 = arith.constant 0 : i32
      %dma_start3A_780 = tpu.memref_slice %arg7[%add3A_758, %dma_start3A_779] : memref<20480x128xf32, #tpu.memory_space<hbm>> -> memref<80x128xf32, #tpu.memory_space<hbm>>
      %dma_start3A_781 = arith.constant 0 : i32
      %dma_start3A_782 = tpu.memref_slice %arg10[%add3A_756, %dma_start3A_781] : memref<10240x128xf32, #tpu.memory_space<vmem_shared>> -> memref<80x128xf32, #tpu.memory_space<vmem_shared>>
      tpu.enqueue_dma source(%dma_start3A_782 : memref<80x128xf32, #tpu.memory_space<vmem_shared>>) target(%dma_start3A_780 : memref<80x128xf32, #tpu.memory_space<hbm>>) target_semaphore(%run_scoped3A : memref<!tpu.dma_semaphore, #tpu.memory_space<semaphore_mem>>)
      %dma_wait3A_783 = arith.constant 0 : i32
      %dma_wait3A_784 = tpu.memref_slice %arg7[%add3A_758, %dma_wait3A_783] : memref<20480x128xf32, #tpu.memory_space<hbm>> -> memref<80x128xf32, #tpu.memory_space<hbm>>
      %dma_wait3A_785 = arith.constant 0 : i32
      %dma_wait3A_786 = tpu.memref_slice %arg10[%add3A_756, %dma_wait3A_785] : memref<10240x128xf32, #tpu.memory_space<vmem_shared>> -> memref<80x128xf32, #tpu.memory_space<vmem_shared>>
      tpu.wait_dma2 semaphore(%run_scoped3A : memref<!tpu.dma_semaphore, #tpu.memory_space<semaphore_mem>>) src(%dma_wait3A_786 : memref<80x128xf32, #tpu.memory_space<vmem_shared>>) dst(%dma_wait3A_784 : memref<80x128xf32, #tpu.memory_space<hbm>>)
      tpu.yield
    }) : () -> ()
    %add3A_759 = arith.constant 240 : i32
    %add3A_760 = arith.addi %mul3A_2, %add3A_759 : i32
    %add3A_761 = arith.constant 240 : i32
    %add3A_762 = arith.addi %add3A_746, %add3A_761 : i32
    "tpu.region"() ({
      %run_scoped3A = tpu.sem_alloc : memref<!tpu.dma_semaphore, #tpu.memory_space<semaphore_mem>>
      %dma_start3A_779 = arith.constant 0 : i32
      %dma_start3A_780 = tpu.memref_slice %arg7[%add3A_762, %dma_start3A_779] : memref<20480x128xf32, #tpu.memory_space<hbm>> -> memref<80x128xf32, #tpu.memory_space<hbm>>
      %dma_start3A_781 = arith.constant 0 : i32
      %dma_start3A_782 = tpu.memref_slice %arg10[%add3A_760, %dma_start3A_781] : memref<10240x128xf32, #tpu.memory_space<vmem_shared>> -> memref<80x128xf32, #tpu.memory_space<vmem_shared>>
      tpu.enqueue_dma source(%dma_start3A_782 : memref<80x128xf32, #tpu.memory_space<vmem_shared>>) target(%dma_start3A_780 : memref<80x128xf32, #tpu.memory_space<hbm>>) target_semaphore(%run_scoped3A : memref<!tpu.dma_semaphore, #tpu.memory_space<semaphore_mem>>)
      %dma_wait3A_783 = arith.constant 0 : i32
      %dma_wait3A_784 = tpu.memref_slice %arg7[%add3A_762, %dma_wait3A_783] : memref<20480x128xf32, #tpu.memory_space<hbm>> -> memref<80x128xf32, #tpu.memory_space<hbm>>
      %dma_wait3A_785 = arith.constant 0 : i32
      %dma_wait3A_786 = tpu.memref_slice %arg10[%add3A_760, %dma_wait3A_785] : memref<10240x128xf32, #tpu.memory_space<vmem_shared>> -> memref<80x128xf32, #tpu.memory_space<vmem_shared>>
      tpu.wait_dma2 semaphore(%run_scoped3A : memref<!tpu.dma_semaphore, #tpu.memory_space<semaphore_mem>>) src(%dma_wait3A_786 : memref<80x128xf32, #tpu.memory_space<vmem_shared>>) dst(%dma_wait3A_784 : memref<80x128xf32, #tpu.memory_space<hbm>>)
      tpu.yield
    }) : () -> ()
    %add3A_763 = arith.constant 320 : i32
    %add3A_764 = arith.addi %mul3A_2, %add3A_763 : i32
    %add3A_765 = arith.constant 320 : i32
    %add3A_766 = arith.addi %add3A_746, %add3A_765 : i32
    "tpu.region"() ({
      %run_scoped3A = tpu.sem_alloc : memref<!tpu.dma_semaphore, #tpu.memory_space<semaphore_mem>>
      %dma_start3A_779 = arith.constant 0 : i32
      %dma_start3A_780 = tpu.memref_slice %arg7[%add3A_766, %dma_start3A_779] : memref<20480x128xf32, #tpu.memory_space<hbm>> -> memref<80x128xf32, #tpu.memory_space<hbm>>
      %dma_start3A_781 = arith.constant 0 : i32
      %dma_start3A_782 = tpu.memref_slice %arg10[%add3A_764, %dma_start3A_781] : memref<10240x128xf32, #tpu.memory_space<vmem_shared>> -> memref<80x128xf32, #tpu.memory_space<vmem_shared>>
      tpu.enqueue_dma source(%dma_start3A_782 : memref<80x128xf32, #tpu.memory_space<vmem_shared>>) target(%dma_start3A_780 : memref<80x128xf32, #tpu.memory_space<hbm>>) target_semaphore(%run_scoped3A : memref<!tpu.dma_semaphore, #tpu.memory_space<semaphore_mem>>)
      %dma_wait3A_783 = arith.constant 0 : i32
      %dma_wait3A_784 = tpu.memref_slice %arg7[%add3A_766, %dma_wait3A_783] : memref<20480x128xf32, #tpu.memory_space<hbm>> -> memref<80x128xf32, #tpu.memory_space<hbm>>
      %dma_wait3A_785 = arith.constant 0 : i32
      %dma_wait3A_786 = tpu.memref_slice %arg10[%add3A_764, %dma_wait3A_785] : memref<10240x128xf32, #tpu.memory_space<vmem_shared>> -> memref<80x128xf32, #tpu.memory_space<vmem_shared>>
      tpu.wait_dma2 semaphore(%run_scoped3A : memref<!tpu.dma_semaphore, #tpu.memory_space<semaphore_mem>>) src(%dma_wait3A_786 : memref<80x128xf32, #tpu.memory_space<vmem_shared>>) dst(%dma_wait3A_784 : memref<80x128xf32, #tpu.memory_space<hbm>>)
      tpu.yield
    }) : () -> ()
    %add3A_767 = arith.constant 400 : i32
    %add3A_768 = arith.addi %mul3A_2, %add3A_767 : i32
    %add3A_769 = arith.constant 400 : i32
    %add3A_770 = arith.addi %add3A_746, %add3A_769 : i32
    "tpu.region"() ({
      %run_scoped3A = tpu.sem_alloc : memref<!tpu.dma_semaphore, #tpu.memory_space<semaphore_mem>>
      %dma_start3A_779 = arith.constant 0 : i32
      %dma_start3A_780 = tpu.memref_slice %arg7[%add3A_770, %dma_start3A_779] : memref<20480x128xf32, #tpu.memory_space<hbm>> -> memref<80x128xf32, #tpu.memory_space<hbm>>
      %dma_start3A_781 = arith.constant 0 : i32
      %dma_start3A_782 = tpu.memref_slice %arg10[%add3A_768, %dma_start3A_781] : memref<10240x128xf32, #tpu.memory_space<vmem_shared>> -> memref<80x128xf32, #tpu.memory_space<vmem_shared>>
      tpu.enqueue_dma source(%dma_start3A_782 : memref<80x128xf32, #tpu.memory_space<vmem_shared>>) target(%dma_start3A_780 : memref<80x128xf32, #tpu.memory_space<hbm>>) target_semaphore(%run_scoped3A : memref<!tpu.dma_semaphore, #tpu.memory_space<semaphore_mem>>)
      %dma_wait3A_783 = arith.constant 0 : i32
      %dma_wait3A_784 = tpu.memref_slice %arg7[%add3A_770, %dma_wait3A_783] : memref<20480x128xf32, #tpu.memory_space<hbm>> -> memref<80x128xf32, #tpu.memory_space<hbm>>
      %dma_wait3A_785 = arith.constant 0 : i32
      %dma_wait3A_786 = tpu.memref_slice %arg10[%add3A_768, %dma_wait3A_785] : memref<10240x128xf32, #tpu.memory_space<vmem_shared>> -> memref<80x128xf32, #tpu.memory_space<vmem_shared>>
      tpu.wait_dma2 semaphore(%run_scoped3A : memref<!tpu.dma_semaphore, #tpu.memory_space<semaphore_mem>>) src(%dma_wait3A_786 : memref<80x128xf32, #tpu.memory_space<vmem_shared>>) dst(%dma_wait3A_784 : memref<80x128xf32, #tpu.memory_space<hbm>>)
      tpu.yield
    }) : () -> ()
    %add3A_771 = arith.constant 480 : i32
    %add3A_772 = arith.addi %mul3A_2, %add3A_771 : i32
    %add3A_773 = arith.constant 480 : i32
    %add3A_774 = arith.addi %add3A_746, %add3A_773 : i32
    "tpu.region"() ({
      %run_scoped3A = tpu.sem_alloc : memref<!tpu.dma_semaphore, #tpu.memory_space<semaphore_mem>>
      %dma_start3A_779 = arith.constant 0 : i32
      %dma_start3A_780 = tpu.memref_slice %arg7[%add3A_774, %dma_start3A_779] : memref<20480x128xf32, #tpu.memory_space<hbm>> -> memref<80x128xf32, #tpu.memory_space<hbm>>
      %dma_start3A_781 = arith.constant 0 : i32
      %dma_start3A_782 = tpu.memref_slice %arg10[%add3A_772, %dma_start3A_781] : memref<10240x128xf32, #tpu.memory_space<vmem_shared>> -> memref<80x128xf32, #tpu.memory_space<vmem_shared>>
      tpu.enqueue_dma source(%dma_start3A_782 : memref<80x128xf32, #tpu.memory_space<vmem_shared>>) target(%dma_start3A_780 : memref<80x128xf32, #tpu.memory_space<hbm>>) target_semaphore(%run_scoped3A : memref<!tpu.dma_semaphore, #tpu.memory_space<semaphore_mem>>)
      %dma_wait3A_783 = arith.constant 0 : i32
      %dma_wait3A_784 = tpu.memref_slice %arg7[%add3A_774, %dma_wait3A_783] : memref<20480x128xf32, #tpu.memory_space<hbm>> -> memref<80x128xf32, #tpu.memory_space<hbm>>
      %dma_wait3A_785 = arith.constant 0 : i32
      %dma_wait3A_786 = tpu.memref_slice %arg10[%add3A_772, %dma_wait3A_785] : memref<10240x128xf32, #tpu.memory_space<vmem_shared>> -> memref<80x128xf32, #tpu.memory_space<vmem_shared>>
      tpu.wait_dma2 semaphore(%run_scoped3A : memref<!tpu.dma_semaphore, #tpu.memory_space<semaphore_mem>>) src(%dma_wait3A_786 : memref<80x128xf32, #tpu.memory_space<vmem_shared>>) dst(%dma_wait3A_784 : memref<80x128xf32, #tpu.memory_space<hbm>>)
      tpu.yield
    }) : () -> ()
    %add3A_775 = arith.constant 560 : i32
    %add3A_776 = arith.addi %mul3A_2, %add3A_775 : i32
    %add3A_777 = arith.constant 560 : i32
    %add3A_778 = arith.addi %add3A_746, %add3A_777 : i32
    "tpu.region"() ({
      %run_scoped3A = tpu.sem_alloc : memref<!tpu.dma_semaphore, #tpu.memory_space<semaphore_mem>>
      %dma_start3A_779 = arith.constant 0 : i32
      %dma_start3A_780 = tpu.memref_slice %arg7[%add3A_778, %dma_start3A_779] : memref<20480x128xf32, #tpu.memory_space<hbm>> -> memref<80x128xf32, #tpu.memory_space<hbm>>
      %dma_start3A_781 = arith.constant 0 : i32
      %dma_start3A_782 = tpu.memref_slice %arg10[%add3A_776, %dma_start3A_781] : memref<10240x128xf32, #tpu.memory_space<vmem_shared>> -> memref<80x128xf32, #tpu.memory_space<vmem_shared>>
      tpu.enqueue_dma source(%dma_start3A_782 : memref<80x128xf32, #tpu.memory_space<vmem_shared>>) target(%dma_start3A_780 : memref<80x128xf32, #tpu.memory_space<hbm>>) target_semaphore(%run_scoped3A : memref<!tpu.dma_semaphore, #tpu.memory_space<semaphore_mem>>)
      %dma_wait3A_783 = arith.constant 0 : i32
      %dma_wait3A_784 = tpu.memref_slice %arg7[%add3A_778, %dma_wait3A_783] : memref<20480x128xf32, #tpu.memory_space<hbm>> -> memref<80x128xf32, #tpu.memory_space<hbm>>
      %dma_wait3A_785 = arith.constant 0 : i32
      %dma_wait3A_786 = tpu.memref_slice %arg10[%add3A_776, %dma_wait3A_785] : memref<10240x128xf32, #tpu.memory_space<vmem_shared>> -> memref<80x128xf32, #tpu.memory_space<vmem_shared>>
      tpu.wait_dma2 semaphore(%run_scoped3A : memref<!tpu.dma_semaphore, #tpu.memory_space<semaphore_mem>>) src(%dma_wait3A_786 : memref<80x128xf32, #tpu.memory_space<vmem_shared>>) dst(%dma_wait3A_784 : memref<80x128xf32, #tpu.memory_space<hbm>>)
      tpu.yield
    }) : () -> ()
    "tpu.region"() ({
      %run_scoped3A = tpu.sem_alloc : memref<!tpu.dma_semaphore, #tpu.memory_space<semaphore_mem>>
      %dma_start3A_779 = arith.constant 0 : i32
      %dma_start3A_780 = tpu.memref_slice %arg8[%add3A_746, %dma_start3A_779] : memref<20480x16xf32, #tpu.memory_space<hbm>> -> memref<640x16xf32, #tpu.memory_space<hbm>>
      %dma_start3A_781 = arith.constant 0 : i32
      %dma_start3A_782 = tpu.memref_slice %arg11[%mul3A_2, %dma_start3A_781] : memref<10240x16xf32, #tpu.memory_space<vmem_shared>> -> memref<640x16xf32, #tpu.memory_space<vmem_shared>>
      tpu.enqueue_dma source(%dma_start3A_782 : memref<640x16xf32, #tpu.memory_space<vmem_shared>>) target(%dma_start3A_780 : memref<640x16xf32, #tpu.memory_space<hbm>>) target_semaphore(%run_scoped3A : memref<!tpu.dma_semaphore, #tpu.memory_space<semaphore_mem>>)
      %dma_wait3A_783 = arith.constant 0 : i32
      %dma_wait3A_784 = tpu.memref_slice %arg8[%add3A_746, %dma_wait3A_783] : memref<20480x16xf32, #tpu.memory_space<hbm>> -> memref<640x16xf32, #tpu.memory_space<hbm>>
      %dma_wait3A_785 = arith.constant 0 : i32
      %dma_wait3A_786 = tpu.memref_slice %arg11[%mul3A_2, %dma_wait3A_785] : memref<10240x16xf32, #tpu.memory_space<vmem_shared>> -> memref<640x16xf32, #tpu.memory_space<vmem_shared>>
      tpu.wait_dma2 semaphore(%run_scoped3A : memref<!tpu.dma_semaphore, #tpu.memory_space<semaphore_mem>>) src(%dma_wait3A_786 : memref<640x16xf32, #tpu.memory_space<vmem_shared>>) dst(%dma_wait3A_784 : memref<640x16xf32, #tpu.memory_space<hbm>>)
      tpu.yield
    }) : () -> ()
    "tpu.region"() ({
      %run_scoped3A = tpu.sem_alloc : memref<!tpu.dma_semaphore, #tpu.memory_space<semaphore_mem>>
      %dma_start3A_779 = arith.constant 0 : i32
      %dma_start3A_780 = tpu.memref_slice %arg9[%add3A_746, %dma_start3A_779] : memref<20480x16xf32, #tpu.memory_space<hbm>> -> memref<640x16xf32, #tpu.memory_space<hbm>>
      %dma_start3A_781 = arith.constant 0 : i32
      %dma_start3A_782 = tpu.memref_slice %arg12[%mul3A_2, %dma_start3A_781] : memref<10240x16xf32, #tpu.memory_space<vmem_shared>> -> memref<640x16xf32, #tpu.memory_space<vmem_shared>>
      tpu.enqueue_dma source(%dma_start3A_782 : memref<640x16xf32, #tpu.memory_space<vmem_shared>>) target(%dma_start3A_780 : memref<640x16xf32, #tpu.memory_space<hbm>>) target_semaphore(%run_scoped3A : memref<!tpu.dma_semaphore, #tpu.memory_space<semaphore_mem>>)
      %dma_wait3A_783 = arith.constant 0 : i32
      %dma_wait3A_784 = tpu.memref_slice %arg9[%add3A_746, %dma_wait3A_783] : memref<20480x16xf32, #tpu.memory_space<hbm>> -> memref<640x16xf32, #tpu.memory_space<hbm>>
      %dma_wait3A_785 = arith.constant 0 : i32
      %dma_wait3A_786 = tpu.memref_slice %arg12[%mul3A_2, %dma_wait3A_785] : memref<10240x16xf32, #tpu.memory_space<vmem_shared>> -> memref<640x16xf32, #tpu.memory_space<vmem_shared>>
      tpu.wait_dma2 semaphore(%run_scoped3A : memref<!tpu.dma_semaphore, #tpu.memory_space<semaphore_mem>>) src(%dma_wait3A_786 : memref<640x16xf32, #tpu.memory_space<vmem_shared>>) dst(%dma_wait3A_784 : memref<640x16xf32, #tpu.memory_space<hbm>>)
      tpu.yield
    }) : () -> ()
    return
  }
}

module attributes {stable_mosaic.version = 14 : i64} {
  func.func @_tc_body(%arg0: i32, %arg1: memref<1000x128xf32, #tpu.memory_space<vmem>>, %arg2: memref<2x1000x128xf32, #tpu.memory_space<vmem>>, %arg3: memref<2x1000x16xf32, #tpu.memory_space<vmem>>, %arg4: memref<2x1000x16xf32, #tpu.memory_space<vmem>>, %arg5: memref<128x128xf32, #tpu.memory_space<vmem>>, %arg6: memref<128x128xf32, #tpu.memory_space<vmem>>, %arg7: memref<16x128xf32, #tpu.memory_space<vmem>>, %arg8: memref<1000x128xf32, #tpu.memory_space<vmem>>) attributes {dimension_semantics = [#tpu.dimension_semantics<arbitrary>], iteration_bounds = array<i64: 10>, scalar_prefetch = 0 : i64, scratch_operands = 0 : i64, tpu.core_type = #tpu.core_type<tc>, window_params = [{transform_indices = @transform_0, window_bounds = array<i64: 1000, 128>}, {transform_indices = @transform_1, window_bounds = array<i64: 2, 1000, 128>}, {transform_indices = @transform_2, window_bounds = array<i64: 2, 1000, 16>}, {transform_indices = @transform_3, window_bounds = array<i64: 2, 1000, 16>}, {pipeline_mode = #tpu.pipeline_mode<synchronous>, transform_indices = @transform_4, window_bounds = array<i64: 128, 128>}, {pipeline_mode = #tpu.pipeline_mode<synchronous>, transform_indices = @transform_5, window_bounds = array<i64: 128, 128>}, {pipeline_mode = #tpu.pipeline_mode<synchronous>, transform_indices = @transform_6, window_bounds = array<i64: 16, 128>}, {transform_indices = @transform_7, window_bounds = array<i64: 1000, 128>}]} {
    %get3A = arith.constant 0 : index
    %get3A_0 = arith.constant 0 : index
    %get3A_1 = arith.constant 0 : index
    %get3A_2 = vector.load %arg4[%get3A, %get3A_0, %get3A_1] : memref<2x1000x16xf32, #tpu.memory_space<vmem>>, vector<1x1000x1xf32>
    %get3A_3 = vector.shape_cast %get3A_2 : vector<1x1000x1xf32> to vector<1000x1xf32>
    %get3A_4 = arith.constant 1 : index
    %get3A_5 = arith.constant 0 : index
    %get3A_6 = arith.constant 0 : index
    %get3A_7 = vector.load %arg4[%get3A_4, %get3A_5, %get3A_6] : memref<2x1000x16xf32, #tpu.memory_space<vmem>>, vector<1x1000x1xf32>
    %get3A_8 = vector.shape_cast %get3A_7 : vector<1x1000x1xf32> to vector<1000x1xf32>
    %add3A = arith.addf %get3A_3, %get3A_8 : vector<1000x1xf32>
    %eq3A = arith.constant 0.000000e+00 : f32
    %eq3A_9 = vector.broadcast %eq3A : f32 to vector<1000x1xf32>
    %eq3A_10 = arith.cmpf oeq, %add3A, %eq3A_9 : vector<1000x1xf32>
    %jit3A = arith.constant 1.000000e+00 : f32
    %broadcast_in_dim3A = vector.broadcast %jit3A : f32 to vector<1000x1xf32>
    %select_n3A = arith.select %eq3A_10, %broadcast_in_dim3A, %add3A : vector<1000x1xi1>, vector<1000x1xf32>
    %div3A = arith.constant 1.000000e+00 : f32
    %div3A_11 = vector.broadcast %div3A : f32 to vector<1000x1xf32>
    %div3A_12 = arith.divf %div3A_11, %select_n3A : vector<1000x1xf32>
    %get3A_13 = arith.constant 0 : index
    %get3A_14 = arith.constant 0 : index
    %get3A_15 = arith.constant 0 : index
    %get3A_16 = vector.load %arg2[%get3A_13, %get3A_14, %get3A_15] : memref<2x1000x128xf32, #tpu.memory_space<vmem>>, vector<1x1000x128xf32>
    %get3A_17 = vector.shape_cast %get3A_16 : vector<1x1000x128xf32> to vector<1000x128xf32>
    %get3A_18 = arith.constant 1 : index
    %get3A_19 = arith.constant 0 : index
    %get3A_20 = arith.constant 0 : index
    %get3A_21 = vector.load %arg2[%get3A_18, %get3A_19, %get3A_20] : memref<2x1000x128xf32, #tpu.memory_space<vmem>>, vector<1x1000x128xf32>
    %get3A_22 = vector.shape_cast %get3A_21 : vector<1x1000x128xf32> to vector<1000x128xf32>
    %add3A_23 = arith.addf %get3A_17, %get3A_22 : vector<1000x128xf32>
    %mul3A = vector.broadcast %div3A_12 : vector<1000x1xf32> to vector<1000x128xf32>
    %mul3A_24 = arith.mulf %add3A_23, %mul3A : vector<1000x128xf32>
    %get3A_25 = arith.constant 0 : index
    %get3A_26 = arith.constant 0 : index
    %get3A_27 = arith.constant 0 : index
    %get3A_28 = vector.load %arg3[%get3A_25, %get3A_26, %get3A_27] : memref<2x1000x16xf32, #tpu.memory_space<vmem>>, vector<1x1000x16xf32>
    %get3A_29 = vector.shape_cast %get3A_28 : vector<1x1000x16xf32> to vector<1000x16xf32>
    %get3A_30 = arith.constant 1 : index
    %get3A_31 = arith.constant 0 : index
    %get3A_32 = arith.constant 0 : index
    %get3A_33 = vector.load %arg3[%get3A_30, %get3A_31, %get3A_32] : memref<2x1000x16xf32, #tpu.memory_space<vmem>>, vector<1x1000x16xf32>
    %get3A_34 = vector.shape_cast %get3A_33 : vector<1x1000x16xf32> to vector<1000x16xf32>
    %add3A_35 = arith.addf %get3A_29, %get3A_34 : vector<1000x16xf32>
    %mul3A_36 = vector.broadcast %div3A_12 : vector<1000x1xf32> to vector<1000x16xf32>
    %mul3A_37 = arith.mulf %add3A_35, %mul3A_36 : vector<1000x16xf32>
    %get3A_38 = arith.constant 0 : index
    %get3A_39 = arith.constant 0 : index
    %get3A_40 = vector.load %arg1[%get3A_38, %get3A_39] : memref<1000x128xf32, #tpu.memory_space<vmem>>, vector<1000x128xf32>
    %get3A_41 = arith.constant 0 : index
    %get3A_42 = arith.constant 0 : index
    %get3A_43 = vector.load %arg5[%get3A_41, %get3A_42] : memref<128x128xf32, #tpu.memory_space<vmem>>, vector<128x128xf32>
    %dot_general3A = arith.constant dense<0.000000e+00> : vector<1000x128xf32>
    %dot_general3A_44 = tpu.matmul %get3A_40, %get3A_43, %dot_general3A {dimension_numbers = #tpu.dot_dimension_numbers<[1], [0], [0], [1], [0, 0, 1, 1], [], []>, transpose_lhs_hint = false} : vector<1000x128xf32>, vector<128x128xf32>, vector<1000x128xf32> -> vector<1000x128xf32>
    %get3A_45 = arith.constant 0 : index
    %get3A_46 = arith.constant 0 : index
    %get3A_47 = vector.load %arg6[%get3A_45, %get3A_46] : memref<128x128xf32, #tpu.memory_space<vmem>>, vector<128x128xf32>
    %dot_general3A_48 = arith.constant dense<0.000000e+00> : vector<1000x128xf32>
    %dot_general3A_49 = tpu.matmul %mul3A_24, %get3A_47, %dot_general3A_48 {dimension_numbers = #tpu.dot_dimension_numbers<[1], [0], [0], [1], [0, 0, 1, 1], [], []>, transpose_lhs_hint = false} : vector<1000x128xf32>, vector<128x128xf32>, vector<1000x128xf32> -> vector<1000x128xf32>
    %add3A_50 = arith.addf %dot_general3A_44, %dot_general3A_49 : vector<1000x128xf32>
    %get3A_51 = arith.constant 0 : index
    %get3A_52 = arith.constant 0 : index
    %get3A_53 = vector.load %arg7[%get3A_51, %get3A_52] : memref<16x128xf32, #tpu.memory_space<vmem>>, vector<16x128xf32>
    %dot_general3A_54 = arith.constant dense<0.000000e+00> : vector<1000x128xf32>
    %dot_general3A_55 = tpu.matmul %mul3A_37, %get3A_53, %dot_general3A_54 {dimension_numbers = #tpu.dot_dimension_numbers<[1], [0], [0], [1], [0, 0, 1, 1], [], []>, transpose_lhs_hint = false} : vector<1000x16xf32>, vector<16x128xf32>, vector<1000x128xf32> -> vector<1000x128xf32>
    %add3A_56 = arith.addf %add3A_50, %dot_general3A_55 : vector<1000x128xf32>
    %max3A = arith.constant 0.000000e+00 : f32
    %max3A_57 = vector.broadcast %max3A : f32 to vector<1000x128xf32>
    %max3A_58 = arith.maximumf %add3A_56, %max3A_57 : vector<1000x128xf32>
    %mul3A_59 = arith.mulf %max3A_58, %max3A_58 : vector<1000x128xf32>
    %reduce_sum3A = arith.constant dense<0.000000e+00> : vector<1000xf32>
    %reduce_sum3A_60 = vector.multi_reduction <add>, %mul3A_59, %reduce_sum3A [1] : vector<1000x128xf32> to vector<1000xf32>
    %broadcast_in_dim3A_61 = vector.shape_cast %reduce_sum3A_60 : vector<1000xf32> to vector<1000x1xf32>
    %sqrt3A = math.sqrt %broadcast_in_dim3A_61 : vector<1000x1xf32>
    %eq3A_62 = arith.constant 0.000000e+00 : f32
    %eq3A_63 = vector.broadcast %eq3A_62 : f32 to vector<1000x1xf32>
    %eq3A_64 = arith.cmpf oeq, %sqrt3A, %eq3A_63 : vector<1000x1xf32>
    %jit3A_65 = arith.constant 1.000000e+00 : f32
    %broadcast_in_dim3A_66 = vector.broadcast %jit3A_65 : f32 to vector<1000x1xf32>
    %select_n3A_67 = arith.select %eq3A_64, %broadcast_in_dim3A_66, %sqrt3A : vector<1000x1xi1>, vector<1000x1xf32>
    %div3A_68 = vector.broadcast %select_n3A_67 : vector<1000x1xf32> to vector<1000x128xf32>
    %div3A_69 = arith.divf %max3A_58, %div3A_68 : vector<1000x128xf32>
    %swap3A = arith.constant 0 : index
    %swap3A_70 = arith.constant 0 : index
    %swap3A_71 = vector.load %arg8[%swap3A, %swap3A_70] : memref<1000x128xf32, #tpu.memory_space<vmem>>, vector<1000x128xf32>
    tpu.vector_store %arg8[%swap3A, %swap3A_70], %div3A_69 {strides = array<i32>} : memref<1000x128xf32, #tpu.memory_space<vmem>>, vector<1000x128xf32>,
    return
  }
  func.func @transform_0(%arg0: i32) -> (i32, i32) {
    %c0_i32 = arith.constant 0 : i32
    %c0_i32_0 = arith.constant 0 : i32
    return %arg0, %c0_i32 : i32, i32
  }
  func.func @transform_1(%arg0: i32) -> (i32, i32, i32) {
    %c0_i32 = arith.constant 0 : i32
    %c0_i32_0 = arith.constant 0 : i32
    %c0_i32_1 = arith.constant 0 : i32
    return %c0_i32, %arg0, %c0_i32_0 : i32, i32, i32
  }
  func.func @transform_2(%arg0: i32) -> (i32, i32, i32) {
    %c0_i32 = arith.constant 0 : i32
    %c0_i32_0 = arith.constant 0 : i32
    %c0_i32_1 = arith.constant 0 : i32
    return %c0_i32, %arg0, %c0_i32_0 : i32, i32, i32
  }
  func.func @transform_3(%arg0: i32) -> (i32, i32, i32) {
    %c0_i32 = arith.constant 0 : i32
    %c0_i32_0 = arith.constant 0 : i32
    %c0_i32_1 = arith.constant 0 : i32
    return %c0_i32, %arg0, %c0_i32_0 : i32, i32, i32
  }
  func.func @transform_4(%arg0: i32) -> (i32, i32) {
    %c0_i32 = arith.constant 0 : i32
    %c0_i32_0 = arith.constant 0 : i32
    %c0_i32_1 = arith.constant 0 : i32
    return %c0_i32, %c0_i32_0 : i32, i32
  }
  func.func @transform_5(%arg0: i32) -> (i32, i32) {
    %c0_i32 = arith.constant 0 : i32
    %c0_i32_0 = arith.constant 0 : i32
    %c0_i32_1 = arith.constant 0 : i32
    return %c0_i32, %c0_i32_0 : i32, i32
  }
  func.func @transform_6(%arg0: i32) -> (i32, i32) {
    %c0_i32 = arith.constant 0 : i32
    %c0_i32_0 = arith.constant 0 : i32
    %c0_i32_1 = arith.constant 0 : i32
    return %c0_i32, %c0_i32_0 : i32, i32
  }
  func.func @transform_7(%arg0: i32) -> (i32, i32) {
    %c0_i32 = arith.constant 0 : i32
    %c0_i32_0 = arith.constant 0 : i32
    return %arg0, %c0_i32 : i32, i32
  }
}

</mosaic_0001>

<sc_bundles>
// kernel: kernel.4.cloned.1.call-start
scs
__scs_entry_jumppad:
0x0: {  	(pc) =	sbr.rel $0x88, $3  }
0x1: {  	(tag) =	ssettag $0x0;
	lr =	simm.s32 $0x1  }
0x2: {  	[smem:$0x3F9B] =	sst lr;
	_ =	strace $0xD0000000  }
0x3: {  	_ = 	snop  }
0x4: {  	_ = 	snop  }
0x5: {  	_ = 	snop  }
0x6: {  	_ = 	snop  }
0x7: {  	_ = 	snop  }
__scs_overlays_trampoline_lowered:
0x8: {  	[smem:$0x3FAA] =	sst s0  }
0x9: {  	[smem:$0x3FAB] =	sst s1  }
0xa: {  	[smem:$0x3FAC] =	sst s2  }
0xb: {  	[smem:$0x3FAD] =	sst s3  }
0xc: {  	[smem:$0x3FAE] =	sst s4  }
0xd: {  	[smem:$0x3FAF] =	sst s5  }
0xe: {  	[smem:$0x3FB0] =	sst s6  }
0xf: {  	[smem:$0x3FB1] =	sst s7  }
0x10: {  	[smem:$0x3FB2] =	sst s8  }
0x11: {  	[smem:$0x3FB3] =	sst s9;
	s0 =	simm.s32 @!p0 $0x0  }
0x12: {  	s1 =	sld [smem:$0x3F99];
	s0 =	simm.s32 @p0 $0x1  }
0x13: {  	[smem:$0x3FB4] =	sst s0;
	s0 =	simm.s32 @!p1 $0x0  }
0x14: {  	s2 =	sld [smem:$0x3F98];
	s0 =	simm.s32 @p1 $0x1  }
0x15: {  	[smem:$0x3FB5] =	sst s0;
	s0 =	simm.s32 @!p2 $0x0  }
0x16: {  	s3 =	sld [smem:$0x3FDB];
	s0 =	simm.s32 @p2 $0x1  }
0x17: {  	s4 =	simm.s32 $0x1BF5;
	[smem:$0x3FB7] =	sst s0  }
0x18: {  	s0 =	sld [smem:$0x3F9A];
	_ =	swait.ge [sflag:s4], $0x0  }
0x19: {  	s7 =	sld [smem:$0x3F9B]  }
0x1a: {  	s8 =	sadd.s32 $0xFFFFE003, lr  }
0x1b: {  	s9 =	sadd.s32 $0xFFFFFEF7, lr;
	s5 =	simm.s32 $0xFFFFFFFF;
	p2 =	slt.u32 s8, $0xFFFFF086  }
0x1c: {  	p1 =	slt.u32 s9, $0xF7A;
	s5 =	simm.s32 @!p2 $0x0  }
0x1d: {  	s5 =	simm.s32 @p1 $0x1;
	p0 =	seq.s32 s7, s2  }
0x1e: {  	s7 =	smul.u32 @!p0 $0xF7A, s2;
	p2 =	seq.s32 @!p0 s5, $0x0  }
0x1f: {  	s9 =	smul.u32 $0xF7A, s1;
	s8 =	simm.s32 @!p0 $0x1BF5;
	p2 =	por !p2, p0  }
0x20: {  	[sflag:s8] =	ssyncset.s32 @!p0 $0xFFFFF086;
	s6 =	sadd.s32 @!p0 s3, s7;
	s7 =	simm.s32 @!p0 $0x108  }
0x21: {  	s3 =	sadd.s32 s3, s9;
	s6 =	sadd.s32 @!p0 $0x88, s6;
	s7 =	simm.s32 @p2 $0x1082  }
0x22: {  	[simem:s7], [sflag:s8] =	dma.local @!p0 [hbm:s6], $0xF7A  }
0x23: {  	s9 =	sor.u32 $0xD0000000, s2;
	s6 =	simm.s32 $0x108;
	_ =	swait.ge @!p0 [sflag:s8], $0x0  }
0x24: {  	s3 =	sadd.s32 $0x88, s3;
	s6 =	simm.s32 @!p1 $0x1082;
	[sflag:s4] =	ssyncset.s32 $0xFFFFF086  }
0x25: {  	[simem:s6], [sflag:s4] =	dma.local [hbm:s3], $0xF7A  }
0x26: {  	[smem:$0x3F9B] =	sst s1;
	(tag) =	ssettag s2;
	_ =	strace s9  }
0x27: {  	s1 =	sld [smem:$0x3FAB]  }
0x28: {  	s2 =	sld [smem:$0x3FAC]  }
0x29: {  	s4 =	sld [smem:$0x3FAE]  }
0x2a: {  	p0 =	seq.s32 s5, $0x0;
	s5 =	sld [smem:$0x3FAF]  }
0x2b: {  	s6 =	sld [smem:$0x3FB0]  }
0x2c: {  	s7 =	sld [smem:$0x3FB1]  }
0x2d: {  	s3 =	simm.s32 $0x108;
	s8 =	sld [smem:$0x3FB2]  }
0x2e: {  	s3 =	simm.s32 @!p0 $0x1082;
	s9 =	sld [smem:$0x3FB3]  }
0x2f: {  	lr =	sadd.s32 s0, s3;
	s0 =	sld [smem:$0x3FAA]  }
0x30: {  	s3 =	sld [smem:$0x3FAD]  }
0x31: {  	[smem:$0x3FB6] =	sst s10  }
0x32: {  	s10 =	sld [smem:$0x3FB4];
	_ =	sdelay $0x3  }
0x33: {  	p0 =	seq.s32 s10, $0x1;
	s10 =	sld [smem:$0x3FB6];
	_ =	sdelay $0x3  }
0x34: {  	[smem:$0x3FB6] =	sst s10  }
0x35: {  	s10 =	sld [smem:$0x3FB5];
	_ =	sdelay $0x3  }
0x36: {  	p1 =	seq.s32 s10, $0x1;
	s10 =	sld [smem:$0x3FB6];
	_ =	sdelay $0x3  }
0x37: {  	[smem:$0x3FB6] =	sst s10  }
0x38: {  	s10 =	sld [smem:$0x3FB7]  }
0x39: {  	_ = 	snop;
	(pc) =	sbr.ind lr, $3  }
0x3a: {  	_ = 	snop  }
0x3b: {  	_ = 	snop  }
0x3c: {  	p2 =	seq.s32 s10, $0x1;
	s10 =	sld [smem:$0x3FB6]  }
0x3d: {  	_ =	shalt  }
0x3e: {  	_ =	shalt  }
0x3f: {  	_ =	shalt  }
0x40: {  	_ =	shalt  }
0x41: {  	_ =	shalt  }
0x42: {  	_ =	shalt  }
0x43: {  	_ =	shalt  }
0x44: {  	_ =	shalt  }
0x45: {  	_ =	shalt  }
0x46: {  	_ =	shalt  }
0x47: {  	_ =	shalt  }
0x48: {  	_ =	shalt  }
0x49: {  	_ =	shalt  }
0x4a: {  	_ =	shalt  }
0x4b: {  	_ =	shalt  }
0x4c: {  	_ =	shalt  }
0x4d: {  	_ =	shalt  }
0x4e: {  	_ =	shalt  }
0x4f: {  	_ =	shalt  }
0x50: {  	_ =	shalt  }
0x51: {  	_ =	shalt  }
0x52: {  	_ =	shalt  }
0x53: {  	_ =	shalt  }
0x54: {  	_ =	shalt  }
0x55: {  	_ =	shalt  }
0x56: {  	_ =	shalt  }
0x57: {  	_ =	shalt  }
0x58: {  	_ =	shalt  }
0x59: {  	_ =	shalt  }
0x5a: {  	_ =	shalt  }
0x5b: {  	_ =	shalt  }
0x5c: {  	_ =	shalt  }
0x5d: {  	_ =	shalt  }
0x5e: {  	_ =	shalt  }
0x5f: {  	_ =	shalt  }
0x60: {  	_ =	shalt  }
0x61: {  	_ =	shalt  }
0x62: {  	_ =	shalt  }
0x63: {  	_ =	shalt  }
0x64: {  	_ =	shalt  }
0x65: {  	_ =	shalt  }
0x66: {  	_ =	shalt  }
0x67: {  	_ =	shalt  }
0x68: {  	_ =	shalt  }
0x69: {  	_ =	shalt  }
0x6a: {  	_ =	shalt  }
0x6b: {  	_ =	shalt  }
0x6c: {  	_ =	shalt  }
0x6d: {  	_ =	shalt  }
0x6e: {  	_ =	shalt  }
0x6f: {  	_ =	shalt  }
0x70: {  	_ =	shalt  }
0x71: {  	_ =	shalt  }
0x72: {  	_ =	shalt  }
0x73: {  	_ =	shalt  }
0x74: {  	_ =	shalt  }
0x75: {  	_ =	shalt  }
0x76: {  	_ =	shalt  }
0x77: {  	_ =	shalt  }
0x78: {  	_ =	shalt  }
0x79: {  	_ =	shalt  }
0x7a: {  	_ =	shalt  }
0x7b: {  	_ =	shalt  }
0x7c: {  	_ =	shalt  }
0x7d: {  	_ =	shalt  }
0x7e: {  	_ =	shalt  }
0x7f: {  	_ =	shalt  }
0x80: {  	_ =	shalt  }
0x81: {  	_ =	shalt  }
0x82: {  	_ =	shalt  }
0x83: {  	_ =	shalt  }
0x84: {  	_ =	shalt  }
0x85: {  	_ =	shalt  }
0x86: {  	_ =	shalt  }
0x87: {  	_ =	shalt  }
.Lfunc_end0:
.L_simem_size_0:
called_computation_lowered:
.L_overlay_start_0:
0x88: {  	s2 =	sld [smem:$0x3FD9]  }
0x89: {  	s3 =	sld [smem:$0x3FFE];
	_ =	sdelay $0x1  }
0x8a: {  	s1 =	srdreg.scid  }
0x8b: {  	s0 =	sand.u32 $0x1, s1  }
0x8c: {  	s17 =	sshll.u32 s0, $0xA;
	s2 =	sadd.s32 s3, s2  }
0x8d: {  	s2 =	sadd.s32 s2, s17  }
0x8e: {  	[smem:$0x3FC2] =	sst s2  }
0x8f: {  	_ = 	snop  }
0x90: {  	s2 =	sld [smem:$0x3FC9]  }
0x91: {  	s18 =	sld [smem:$0x3FD0];
	(tm) =	ssettm $0x1  }
0x92: {  	s4 =	sld [smem:$0x3FFB];
	_ =	sdelay $0x3  }
0x93: {  	_ =	strace s4  }
0x94: {  	s4 =	sld [smem:$0x3FFC];
	_ =	sdelay $0x3  }
0x95: {  	_ =	strace s4  }
0x96: {  	s4 =	sld [smem:$0x3FFD];
	_ =	sdelay $0x3  }
0x97: {  	_ =	strace s4  }
0x98: {  	_ =	strace $0x8FFFFFFF  }
0x99: {  	s19 =	sld [smem:$0x3FDB];
	_ =	sdelay $0x1  }
0x9a: {  	s5 =	simm.s32 $_scs_section_size  }
0x9b: {  	s6 =	simm.s32 $_size__tile_overlayer_lowered;
	s7 =	simm.s32 $_tile_overlayer_lowered  }
0x9c: {  	s22 =	simm.s32 $0x1BFF;
	s21 =	sshll.u32 s7, $0x1;
	s4 =	sadd.s32 s5, s19  }
0x9d: {  	s8 =	simm.s32 $0x0;
	s20 =	sshll.u32 s6, $0x1;
	s6 =	sadd.s32 s21, s4  }
0x9e: {  	[timem:s8], [sflag:s22] =	dma.local [hbm:s6], s20  }
0x9f: {  	_ =	swait.ge [sflag:s22], s20  }
0xa0: {  	s5 =	ssub.s32 $0x0, s20;
	[sflag:s22] =	ssyncset.done $0x0  }
0xa1: {  	[sflag:s22] =	ssyncadd.s32 s5;
	_ =	sdelay $0x1  }
0xa2: {  	s23 =	simm.s32 $0x1B8B  }
0xa3: {  	_ =	swait.ge [sflag:s23], $0x1  }
0xa4: {  	[sflag:s23] =	ssyncset.done $0x0  }
0xa5: {  	s25 =	simm.s32 $0x1B8E;
	s24 =	sld [smem:$0x3FFE];
	[sflag:s23] =	ssyncadd.s32 $0xFFFFFFFF  }
0xa6: {  	s26 =	simm.s32 $execute0_lowered;
	[smem:$0x3FD2] =	sst s25  }
0xa7: {  	s6 =	sshll.u32 s26, $0x1;
	_ =	strace $0x80000046;
	[dreg:$0x1] =	wrdreg $0xFFFFFFFF  }
0xa8: {  	s28 =	simm.s32 $_size_execute0_lowered;
	s4 =	sadd.s32 s4, s6;
	[dreg:$0x0] =	wrdreg $0x0  }
0xa9: {  	s6 =	sshll.u32 s28, $0x1;
	[dreg:$0x2] =	wrdreg s4  }
0xaa: {  	[dreg:$0x3] =	wrdreg s6  }
0xab: {  	[dreg:$0x4] =	wrdreg $0xC0  }
0xac: {  	_ =	task [dreg:s8], $0x5FFFF  }
0xad: {  	[dreg:$0x1] =	wrdreg $0xFFFFFFFF  }
0xae: {  	[dreg:$0x0] =	wrdreg $0x60  }
0xaf: {  	[dreg:$0x2] =	wrdreg s2  }
0xb0: {  	[dreg:$0x3] =	wrdreg s18  }
0xb1: {  	[dreg:$0x4] =	wrdreg s24  }
0xb2: {  	[dreg:$0x5] =	wrdreg $0x0  }
0xb3: {  	[dreg:$0x6] =	wrdreg $0x140000  }
0xb4: {  	[dreg:$0x7] =	wrdreg $0x168000  }
0xb5: {  	[dreg:$0x8] =	wrdreg $0x9  }
0xb6: {  	_ =	task.clear_ibuf [dreg:s8], $0x9FFFF;
	_ =	strace $0x90000046  }
0xb7: {  	s29 =	simm.s32 $0x9;
	_ =	strace $0x80000048  }
0xb8: {  	_ =	swait.ge [sflag:s29], $0x1  }
0xb9: {  	[sflag:s29] =	ssyncadd.s32 $0xFFFFFFFF  }
0xba: {  	_ =	strace $0x90000048  }
0xbb: {  	_ =	sfence  }
0xbc: {  	s30 =	sld [smem:$0x0];
	_ =	sdelay $0x2  }
0xbd: {  	s31 =	sshll.u32 s1, $0xD;
	s1 =	sshrl.u32 s1, $0x2  }
0xbe: {  	s3 =	sand.u32 $0x4000, s31;
	s1 =	sadd.s32 s1, s30  }
0xbf: {  	s0 =	sor.u32 s3, s0;
	s1 =	sshll.u32 s1, $0x11  }
0xc0: {  	s0 =	sor.u32 s1, s0  }
0xc1: {  	s0 =	sadd.s32 $0x8F2B, s0  }
0xc2: {  	[sflag:s0] =	ssyncadd.remote.s32 $0x1  }
0xc3: {  	_ =	sfence.sel $0xFFFF  }
0xc4: {  	[dreg:$0x0] =	wrdreg $0xFFFFFFFF;
	(pc) =	sbr.abs _section_cstart, $3  }
0xc5: {  	[dreg:$0x1] =	wrdreg $0xFFFFFFFF  }
0xc6: {  	_ =	task.clear_ibuf [dreg:s8], $0x2FFFF;
	_ =	strace $0x9FFFFFFF  }
0xc7: {  	(tm) =	ssettm $0x7FFFFFFF  }
tec
execute0_lowered:
.L_overlay_start_1:
0x0: {  	(tag) =	ssettag $0x1  }
0x1: {  	s23 =	stileid.u32  }
0x2: {  	s1 =	srdreg.scid;
	s0 =	smul.u32 $0x2800, s23  }
0x3: {  	s5 =	rddreg [dreg:$0x2];
	s3 =	sand.u32 $0x1, s1;
	s16 =	smul.u32 $0x280, s23  }
0x4: {  	s6 =	sadd.s32 $0x1A00, s5;
	s4 =	smul.u32 $0x2800, s3  }
0x5: {  	s18 =	sshll.u32 s23, $0x1;
	s7 =	ssub.s32 $0x2, s3;
	s2 =	sshrl.u32 s0, $0x3  }
0x6: {  	s17 =	sshrl.u32 s7, $0x1;
	s1 =	sadd.s32 s16, s4;
	s4 =	smul.u32 $0x14000, s23  }
0x7: {  	s2 =	sadd.s32 s2, s5;
	s8 =	sshll.u32 s1, $0x4;
	s9 =	sshll.u32 s1, $0x1  }
0x8: {  	s1 =	ssub.s32 s7, s17;
	s7 =	sor.u32 s3, s18;
	s10 =	sor.u32 $0x2800, s4  }
0x9: {  	s11 =	sshrl.u32 s4, $0x3;
	s13 =	sadd.s32 $0x7800, s4;
	s15 =	sadd.s32 $0xA000, s4  }
0xa: {  	s17 =	sadd.s32 $0xC800, s4;
	s8 =	sadd.s32 s8, s5;
	s12 =	sshrl.u32 s10, $0x3  }
0xb: {  	s11 =	sadd.s32 s6, s11;
	s21 =	sshrl.u32 s13, $0x3;
	s14 =	sshrl.u32 s15, $0x3  }
0xc: {  	s24 =	sshrl.u32 s17, $0x3;
	[dreg:$0x7] =	wrdreg s11;
	s19 =	sadd.s32 s6, s12  }
0xd: {  	s11 =	sadd.s32 $0x5000, s4;
	s22 =	sadd.s32 s6, s14;
	[dreg:$0x8] =	wrdreg s19  }
0xe: {  	s14 =	smul.u32 $0x2710, s7;
	s20 =	sshrl.u32 s11, $0x3;
	[dreg:$0xb] =	wrdreg s22  }
0xf: {  	s19 =	sadd.s32 $0xF000, s4;
	s22 =	sadd.s32 $0x11800, s4;
	s12 =	sadd.s32 s6, s20  }
0x10: {  	s18 =	sadd.s32 $0x50, s14;
	[dreg:$0x9] =	wrdreg s12;
	s12 =	sadd.s32 s6, s21  }
0x11: {  	s25 =	sshrl.u32 s19, $0x3;
	s20 =	sshll.u32 s18, $0x1;
	[dreg:$0xa] =	wrdreg s12  }
0x12: {  	s12 =	sadd.s32 s6, s24;
	s24 =	sshrl.u32 s18, $0x3;
	s18 =	rddreg [dreg:$0x4]  }
0x13: {  	s26 =	sshrl.u32 s22, $0x3;
	[dreg:$0xc] =	wrdreg s12;
	s12 =	sadd.s32 s6, s25  }
0x14: {  	s16 =	smul.u32 $0x4E20, s7;
	s6 =	sadd.s32 s6, s26;
	[dreg:$0xd] =	wrdreg s12  }
0x15: {  	s9 =	sadd.s32 s9, s5;
	s5 =	sadd.s32 $0x4E3A00, s5;
	[dreg:$0xe] =	wrdreg s6  }
0x16: {  	s12 =	sadd.s32 s5, s16;
	s6 =	sadd.s32 $0x26C0, s14;
	s14 =	rddreg [dreg:$0x0]  }
0x17: {  	s7 =	smul.u32 $0x4E2, s7;
	[dreg:$0xf] =	wrdreg s12  }
0x18: {  	s16 =	smul.u32 $0x9C40, s23;
	s12 =	sadd.s32 s5, s20;
	s20 =	rddreg [dreg:$0x1]  }
0x19: {  	s25 =	smul.u32 $0x9C4, s23;
	s21 =	sshll.u32 s6, $0x1;
	[dreg:$0x10] =	wrdreg s12  }
0x1a: {  	s12 =	sadd.s32 s5, s21;
	s5 =	sadd.s32 s16, s5;
	s16 =	rddreg [dreg:$0x3]  }
0x1b: {  	s6 =	sshrl.u32 s6, $0x3;
	s7 =	sadd.s32 s20, s7;
	[dreg:$0x11] =	wrdreg s12  }
0x1c: {  	s6 =	sadd.s32 s20, s6;
	[dreg:$0x12] =	wrdreg s7  }
0x1d: {  	s26 =	sadd.s32 s25, s20;
	[dreg:$0x14] =	wrdreg s6  }
0x1e: {  	s12 =	simm.s32 $0x0;
	s7 =	sadd.s32 s20, s24;
	s20 =	rddreg [dreg:$0x5]  }
0x1f: {  	[smem:$0x7FF] =	sst s12  }
0x20: {  	s4 =	sadd.s32 s4, s16;
	[dreg:$0x13] =	wrdreg s7  }
0x21: {  	s10 =	sadd.s32 s10, s16;
	_ =	strace $0x80000047;
	[dreg:$0x15] =	wrdreg s4  }
0x22: {  	s11 =	sadd.s32 s11, s16;
	[dreg:$0x16] =	wrdreg s10  }
0x23: {  	s28 =	simm.s32 $0x1;
	s13 =	sadd.s32 s13, s16;
	[dreg:$0x17] =	wrdreg s11  }
0x24: {  	s21 =	smul.u32 $0x4E20, s3;
	s15 =	sadd.s32 s15, s16;
	[dreg:$0x18] =	wrdreg s13  }
0x25: {  	s3 =	smul.u32 $0x4E2, s3;
	s24 =	sadd.s32 s17, s16;
	[dreg:$0x19] =	wrdreg s15  }
0x26: {  	s29 =	simm.s32 $0x19B40;
	s25 =	sadd.s32 s19, s16;
	[dreg:$0x1a] =	wrdreg s24  }
0x27: {  	s3 =	sadd.s32 s3, s26;
	s26 =	sadd.s32 s22, s16;
	[dreg:$0x1b] =	wrdreg s25  }
0x28: {  	s30 =	simm.s32 $0x19140;
	s2 =	sadd.s32 $0x29A00, s2;
	[dreg:$0x1c] =	wrdreg s26  }
0x29: {  	s21 =	sadd.s32 s21, s5;
	s5 =	sadd.s32 s0, s18;
	[dreg:$0x1d] =	wrdreg s2  }
0x2a: {  	s31 =	simm.s32 $0x3;
	s0 =	sadd.s32 s0, s20;
	[dreg:$0x1e] =	wrdreg s5  }
0x2b: {  	s6 =	sadd.s32 $0x42A00, s8;
	s17 =	sadd.s32 $0x44800, s8;
	[dreg:$0x1f] =	wrdreg s0  }
0x2c: {  	s19 =	sadd.s32 $0x44D00, s8;
	s7 =	sshll.u32 s23, $0x6;
	[smem:$0x7F2] =	sst s6  }
0x2d: {  	s22 =	sadd.s32 $0x2EA00, s9;
	s23 =	sor.u32 $0x1C07, s7;
	[smem:$0x7F8] =	sst s17  }
0x2e: {  	s7 =	sadd.s32 $0x42F00, s8;
	s10 =	sadd.s32 $0x43400, s8;
	[smem:$0x7F9] =	sst s19  }
0x2f: {  	s11 =	sadd.s32 $0x43900, s8;
	s13 =	sadd.s32 $0x43E00, s8;
	[smem:$0x7FA] =	sst s22  }
0x30: {  	s15 =	sadd.s32 $0x44300, s8;
	s24 =	sadd.s32 $0x38A00, s9;
	[smem:$0x7F3] =	sst s7  }
0x31: {  	s25 =	smax.u32 s1, $0x1;
	s26 =	sadd.s32 $0x1E, s3;
	[smem:$0x7F4] =	sst s10  }
0x32: {  	s19 =	simm.s32 $0x7;
	s22 =	simm.s32 $0x50;
	[smem:$0x7F5] =	sst s11  }
0x33: {  	s0 =	simm.s32 $0x19050;
	s1 =	simm.s32 $0x1EB40;
	[smem:$0x7F6] =	sst s13  }
0x34: {  	s2 =	simm.s32 $0x2;
	s3 =	simm.s32 $0x1C340;
	[smem:$0x7F7] =	sst s15  }
0x35: {  	s4 =	simm.s32 $0x19640;
	s5 =	simm.s32 $0x5;
	[smem:$0x7FB] =	sst s24  }
0x36: {  	s6 =	simm.s32 $0x4;
	s8 =	simm.s32 $0x6;
	[smem:$0x7FC] =	sst s25  }
0x37: {  	s9 =	simm.s32 $0x0;
	[smem:$0x7FD] =	sst s26;
	s24 =	simm.s32 $0x4E200  }
0x38: {  	v0 =	vimm.f32 $1.000000000e+00;
	s25 =	simm.s32 $0x19000;
	s26 =	simm.s32 $0x190A0;
	s7 =	simm.s32 $0x190F0  }
.LBB2_1:
0x39: {  	s10 =	rddreg [dreg:$0x15]  }
0x3a: {  	s17 =	rddreg [dreg:$0x7];
	s11 =	sshrl.u32 s10, $0x3  }
0x3b: {  	[smem:$0x7E9] =	sst s11  }
0x3c: {  	[spmem:s11], [sflag:s23] =	dma.local [hbm:s17], $0x500  }
0x3d: {  	_ =	swait.ge [sflag:s19], $0x500  }
0x3e: {  	s13 =	rddreg [dreg:$0x16]  }
0x3f: {  	[sflag:s19] =	ssyncset.done $0x0;
	s17 =	rddreg [dreg:$0x8];
	s15 =	sshrl.u32 s13, $0x3  }
0x40: {  	[sflag:s19] =	ssyncadd.s32 $0xFFFFFB00;
	[smem:$0x7EA] =	sst s15  }
0x41: {  	[spmem:s15], [sflag:s23] =	dma.local [hbm:s17], $0x500  }
0x42: {  	_ =	swait.ge [sflag:s19], $0x500  }
0x43: {  	s13 =	rddreg [dreg:$0x17]  }
0x44: {  	[sflag:s19] =	ssyncset.done $0x0;
	s17 =	rddreg [dreg:$0x9];
	s15 =	sshrl.u32 s13, $0x3  }
0x45: {  	[sflag:s19] =	ssyncadd.s32 $0xFFFFFB00;
	[smem:$0x7EB] =	sst s15  }
0x46: {  	[spmem:s15], [sflag:s23] =	dma.local [hbm:s17], $0x500  }
0x47: {  	_ =	swait.ge [sflag:s19], $0x500  }
0x48: {  	s13 =	rddreg [dreg:$0x18]  }
0x49: {  	[sflag:s19] =	ssyncset.done $0x0;
	s17 =	rddreg [dreg:$0xa];
	s15 =	sshrl.u32 s13, $0x3  }
0x4a: {  	[sflag:s19] =	ssyncadd.s32 $0xFFFFFB00;
	[smem:$0x7EC] =	sst s15  }
0x4b: {  	[spmem:s15], [sflag:s23] =	dma.local [hbm:s17], $0x500  }
0x4c: {  	_ =	swait.ge [sflag:s19], $0x500  }
0x4d: {  	s13 =	rddreg [dreg:$0x19]  }
0x4e: {  	[sflag:s19] =	ssyncset.done $0x0;
	s17 =	rddreg [dreg:$0xb];
	s15 =	sshrl.u32 s13, $0x3  }
0x4f: {  	[sflag:s19] =	ssyncadd.s32 $0xFFFFFB00;
	[smem:$0x7ED] =	sst s15  }
0x50: {  	[spmem:s15], [sflag:s23] =	dma.local [hbm:s17], $0x500  }
0x51: {  	_ =	swait.ge [sflag:s19], $0x500  }
0x52: {  	s13 =	rddreg [dreg:$0x1a]  }
0x53: {  	[sflag:s19] =	ssyncset.done $0x0;
	s17 =	rddreg [dreg:$0xc];
	s15 =	sshrl.u32 s13, $0x3  }
0x54: {  	[sflag:s19] =	ssyncadd.s32 $0xFFFFFB00;
	[smem:$0x7EE] =	sst s15  }
0x55: {  	[spmem:s15], [sflag:s23] =	dma.local [hbm:s17], $0x500  }
0x56: {  	_ =	swait.ge [sflag:s19], $0x500  }
0x57: {  	s13 =	rddreg [dreg:$0x1b]  }
0x58: {  	[sflag:s19] =	ssyncset.done $0x0;
	s17 =	rddreg [dreg:$0xd];
	s15 =	sshrl.u32 s13, $0x3  }
0x59: {  	[sflag:s19] =	ssyncadd.s32 $0xFFFFFB00;
	[smem:$0x7EF] =	sst s15  }
0x5a: {  	[spmem:s15], [sflag:s23] =	dma.local [hbm:s17], $0x500  }
0x5b: {  	_ =	swait.ge [sflag:s19], $0x500  }
0x5c: {  	s11 =	rddreg [dreg:$0x1c]  }
0x5d: {  	[sflag:s19] =	ssyncset.done $0x0;
	s15 =	rddreg [dreg:$0xe];
	s13 =	sshrl.u32 s11, $0x3  }
0x5e: {  	[sflag:s19] =	ssyncadd.s32 $0xFFFFFB00;
	[smem:$0x7F0] =	sst s13  }
0x5f: {  	[spmem:s13], [sflag:s23] =	dma.local [hbm:s15], $0x500  }
0x60: {  	_ =	swait.ge [sflag:s19], $0x500  }
0x61: {  	s17 =	rddreg [dreg:$0x1e]  }
0x62: {  	[sflag:s19] =	ssyncset.done $0x0;
	s13 =	rddreg [dreg:$0x1d];
	s10 =	sshrl.u32 s17, $0x3  }
0x63: {  	[sflag:s19] =	ssyncadd.s32 $0xFFFFFB00;
	[smem:$0x7F1] =	sst s10  }
0x64: {  	[spmem:s10], [sflag:s23] =	dma.local [hbm:s13], $0x500  }
0x65: {  	_ =	swait.ge [sflag:s19], $0x500  }
0x66: {  	[sflag:s19] =	ssyncset.done $0x0;
	s15 =	rddreg [dreg:$0x1f]  }
0x67: {  	[sflag:s19] =	ssyncadd.s32 $0xFFFFFB00;
	s15 =	sshrl.u32 s15, $0x3  }
0x68: {  	[spmem:s15], [sflag:s23] =	dma.local [hbm:s13], $0x500  }
0x69: {  	_ =	swait.ge [sflag:s19], $0x500  }
0x6a: {  	[sflag:s19] =	ssyncset.done $0x0  }
0x6b: {  	[sflag:s19] =	ssyncadd.s32 $0xFFFFFB00  }
0x6c: {  	[tilespmem:$0x1EB40] =	vst v0  }
0x6d: {  	[tilespmem:$0x1EB50] =	vst v0  }
0x6e: {  	[tilespmem:$0x1EB60] =	vst v0  }
0x6f: {  	[tilespmem:$0x1EB70] =	vst v0  }
0x70: {  	[tilespmem:$0x1EB80] =	vst v0  }
0x71: {  	[tilespmem:$0x1EB90] =	vst v0  }
0x72: {  	[tilespmem:$0x1EBA0] =	vst v0  }
0x73: {  	[tilespmem:$0x1EBB0] =	vst v0  }
0x74: {  	[tilespmem:$0x1EBC0] =	vst v0  }
0x75: {  	[tilespmem:$0x1EBD0] =	vst v0  }
0x76: {  	[tilespmem:$0x1EBE0] =	vst v0  }
0x77: {  	[tilespmem:$0x1EBF0] =	vst v0  }
0x78: {  	[tilespmem:$0x1EC00] =	vst v0  }
0x79: {  	[tilespmem:$0x1EC10] =	vst v0  }
0x7a: {  	[tilespmem:$0x1EC20] =	vst v0  }
0x7b: {  	[tilespmem:$0x1EC30] =	vst v0  }
0x7c: {  	[tilespmem:$0x1EC40] =	vst v0  }
0x7d: {  	[tilespmem:$0x1EC50] =	vst v0  }
0x7e: {  	[tilespmem:$0x1EC60] =	vst v0  }
0x7f: {  	[tilespmem:$0x1EC70] =	vst v0  }
0x80: {  	[tilespmem:$0x1EC80] =	vst v0  }
0x81: {  	[tilespmem:$0x1EC90] =	vst v0  }
0x82: {  	[tilespmem:$0x1ECA0] =	vst v0  }
0x83: {  	[tilespmem:$0x1ECB0] =	vst v0  }
0x84: {  	[tilespmem:$0x1ECC0] =	vst v0  }
0x85: {  	[tilespmem:$0x1ECD0] =	vst v0  }
0x86: {  	[tilespmem:$0x1ECE0] =	vst v0  }
0x87: {  	[tilespmem:$0x1ECF0] =	vst v0  }
0x88: {  	[tilespmem:$0x1ED00] =	vst v0  }
0x89: {  	[tilespmem:$0x1ED10] =	vst v0  }
0x8a: {  	[tilespmem:$0x1ED20] =	vst v0  }
0x8b: {  	[tilespmem:$0x1ED30] =	vst v0  }
0x8c: {  	[tilespmem:$0x1ED40] =	vst v0  }
0x8d: {  	[tilespmem:$0x1ED50] =	vst v0  }
0x8e: {  	[tilespmem:$0x1ED60] =	vst v0  }
0x8f: {  	[tilespmem:$0x1ED70] =	vst v0  }
0x90: {  	[tilespmem:$0x1ED80] =	vst v0  }
0x91: {  	[tilespmem:$0x1ED90] =	vst v0  }
0x92: {  	[tilespmem:$0x1EDA0] =	vst v0  }
0x93: {  	[tilespmem:$0x1EDB0] =	vst v0  }
0x94: {  	[tilespmem:$0x1EDC0] =	vst v0  }
0x95: {  	[tilespmem:$0x1EDD0] =	vst v0  }
0x96: {  	[tilespmem:$0x1EDE0] =	vst v0  }
0x97: {  	[tilespmem:$0x1EDF0] =	vst v0  }
0x98: {  	[tilespmem:$0x1EE00] =	vst v0  }
0x99: {  	[tilespmem:$0x1EE10] =	vst v0  }
0x9a: {  	[tilespmem:$0x1EE20] =	vst v0  }
0x9b: {  	[tilespmem:$0x1EE30] =	vst v0  }
0x9c: {  	[tilespmem:$0x1EE40] =	vst v0  }
0x9d: {  	[tilespmem:$0x1EE50] =	vst v0  }
0x9e: {  	[tilespmem:$0x1EE60] =	vst v0  }
0x9f: {  	[tilespmem:$0x1EE70] =	vst v0  }
0xa0: {  	[tilespmem:$0x1EE80] =	vst v0  }
0xa1: {  	[tilespmem:$0x1EE90] =	vst v0  }
0xa2: {  	[tilespmem:$0x1EEA0] =	vst v0  }
0xa3: {  	[tilespmem:$0x1EEB0] =	vst v0  }
0xa4: {  	[tilespmem:$0x1EEC0] =	vst v0  }
0xa5: {  	[tilespmem:$0x1EED0] =	vst v0  }
0xa6: {  	[tilespmem:$0x1EEE0] =	vst v0  }
0xa7: {  	[tilespmem:$0x1EEF0] =	vst v0  }
0xa8: {  	[tilespmem:$0x1EF00] =	vst v0  }
0xa9: {  	[tilespmem:$0x1EF10] =	vst v0  }
0xaa: {  	[tilespmem:$0x1EF20] =	vst v0  }
0xab: {  	[tilespmem:$0x1EF30] =	vst v0  }
0xac: {  	[tilespmem:$0x1EF40] =	vst v0  }
0xad: {  	[tilespmem:$0x1EF50] =	vst v0  }
0xae: {  	[tilespmem:$0x1EF60] =	vst v0  }
0xaf: {  	[tilespmem:$0x1EF70] =	vst v0  }
0xb0: {  	[tilespmem:$0x1EF80] =	vst v0  }
0xb1: {  	[tilespmem:$0x1EF90] =	vst v0  }
0xb2: {  	[tilespmem:$0x1EFA0] =	vst v0  }
0xb3: {  	[tilespmem:$0x1EFB0] =	vst v0  }
0xb4: {  	[tilespmem:$0x1EFC0] =	vst v0  }
0xb5: {  	[tilespmem:$0x1EFD0] =	vst v0  }
0xb6: {  	[tilespmem:$0x1EFE0] =	vst v0  }
0xb7: {  	[tilespmem:$0x1EFF0] =	vst v0  }
0xb8: {  	[tilespmem:$0x1F000] =	vst v0  }
0xb9: {  	[tilespmem:$0x1F010] =	vst v0  }
0xba: {  	[tilespmem:$0x1F020] =	vst v0  }
0xbb: {  	[tilespmem:$0x1F030] =	vst v0  }
0xbc: {  	[bflag:$0x0] =	sbarrier.arrive $0xFFFF  }
0xbd: {  	s17 =	rddreg [dreg:$0x12]  }
0xbe: {  	[tilespmem:s25], [sflag:$0x1] =	stream.strided.gather [hbm4b:s17+s22], $0xA0, s24, s22, $0x38;
	[tilespmem:$0x1F040] =	vst v63  }
0xbf: {  	s11 =	rddreg [dreg:$0x13]  }
0xc0: {  	[tilespmem:s26], [sflag:$0x2] =	stream.strided.gather [hbm4b:s11+s22], $0xA0, s24, s22, $0x38;
	[tilespmem:$0x1F040] =	vst v63  }
0xc1: {  	_ =	swait.ge [sflag:s28], $0xA0  }
0xc2: {  	[sflag:s28] =	ssyncset.done $0x0  }
0xc3: {  	[sflag:s28] =	ssyncadd.s32 $0xFFFFFF60  }
0xc4: {  	[tilespmem:s29], [sflag:$0x3] =	stream.indirect.gather [hbm4b:s14+s22], $0x80, s25, s22, $0xb8;
	[tilespmem:$0x1F040] =	vst v63  }
0xc5: {  	s13 =	rddreg [dreg:$0xf]  }
0xc6: {  	[tilespmem:s30], [sflag:$0x3] =	stream.linear.gather [hbm4b:s13+s12], $0x500, $0x38;
	[tilespmem:$0x1F040] =	vst v63  }
0xc7: {  	_ =	swait.ge [sflag:s31], $0x2800  }
0xc8: {  	[sflag:s31] =	ssyncset.done $0x0  }
0xc9: {  	[sflag:s31] =	ssyncadd.s32 $0xFFFFD800  }
0xca: {  	_ =	swait.ge [sflag:s31], $0x500  }
0xcb: {  	[sflag:s31] =	ssyncset.done $0x0  }
0xcc: {  	[sflag:s31] =	ssyncadd.s32 $0xFFFFFB00  }
0xcd: {  	[spmem:s16] =	stream.indirect.scatter.add.f32 [tilespmem:s29], [sflag:$0x5], $0x80, s0, s22, $0xb8;
	[tilespmem:$0x1F040] =	vst v63  }
0xce: {  	_ = 	snop  }
0xcf: {  	[spmem:s18] =	stream.indirect.scatter.add.f32 [tilespmem:s30], [sflag:$0x5], $0x10, s0, s22, $0xb8;
	[tilespmem:$0x1F040] =	vst v63  }
0xd0: {  	_ = 	snop  }
0xd1: {  	[spmem:s20] =	stream.indirect.scatter.add.f32 [tilespmem:s1], [sflag:$0x5], $0x10, s0, s22, $0xb8;
	[tilespmem:$0x1F040] =	vst v63  }
0xd2: {  	_ =	swait.ge [sflag:s2], $0xA0  }
0xd3: {  	[sflag:s2] =	ssyncset.done $0x0  }
0xd4: {  	[sflag:s2] =	ssyncadd.s32 $0xFFFFFF60  }
0xd5: {  	[tilespmem:s3], [sflag:$0x4] =	stream.indirect.gather [hbm4b:s14+s22], $0x80, s26, s22, $0xb8;
	[tilespmem:$0x1F040] =	vst v63  }
0xd6: {  	s17 =	rddreg [dreg:$0x10]  }
0xd7: {  	[tilespmem:s4], [sflag:$0x4] =	stream.linear.gather [hbm4b:s17+s12], $0x500, $0x38;
	[tilespmem:$0x1F040] =	vst v63  }
0xd8: {  	_ =	swait.ge [sflag:s5], $0x2800  }
0xd9: {  	[sflag:s5] =	ssyncset.done $0x0  }
0xda: {  	[sflag:s5] =	ssyncadd.s32 $0xFFFFD800  }
0xdb: {  	_ =	swait.ge [sflag:s5], $0x500  }
0xdc: {  	[sflag:s5] =	ssyncset.done $0x0  }
0xdd: {  	[sflag:s5] =	ssyncadd.s32 $0xFFFFFB00  }
0xde: {  	_ =	swait.ge [sflag:s5], $0x500  }
0xdf: {  	s17 =	sld [smem:$0x7FD];
	_ =	sdelay $0x1  }
0xe0: {  	[sflag:s5] =	ssyncset.done $0x0  }
0xe1: {  	[sflag:s5] =	ssyncadd.s32 $0xFFFFFB00;
	s11 =	sadd.s32 $0xFFFFFFF6, s17  }
0xe2: {  	[tilespmem:s25], [sflag:$0x1] =	stream.strided.gather [hbm4b:s11+s22], $0xA0, s24, s22, $0x38;
	[tilespmem:$0x1F040] =	vst v63  }
0xe3: {  	_ =	swait.ge [sflag:s6], $0x2800  }
0xe4: {  	[sflag:s6] =	ssyncset.done $0x0  }
0xe5: {  	[sflag:s6] =	ssyncadd.s32 $0xFFFFD800  }
0xe6: {  	_ =	swait.ge [sflag:s6], $0x500  }
0xe7: {  	[sflag:s6] =	ssyncset.done $0x0  }
0xe8: {  	[sflag:s6] =	ssyncadd.s32 $0xFFFFFB00  }
0xe9: {  	[spmem:s16] =	stream.indirect.scatter.add.f32 [tilespmem:s3], [sflag:$0x6], $0x80, s7, s22, $0xb8;
	[tilespmem:$0x1F040] =	vst v63  }
0xea: {  	_ = 	snop  }
0xeb: {  	[spmem:s18] =	stream.indirect.scatter.add.f32 [tilespmem:s4], [sflag:$0x6], $0x10, s7, s22, $0xb8;
	[tilespmem:$0x1F040] =	vst v63  }
0xec: {  	_ = 	snop  }
0xed: {  	[spmem:s20] =	stream.indirect.scatter.add.f32 [tilespmem:s1], [sflag:$0x6], $0x10, s7, s22, $0xb8;
	[tilespmem:$0x1F040] =	vst v63  }
0xee: {  	_ =	swait.ge [sflag:s28], $0xA0  }
0xef: {  	[sflag:s28] =	ssyncset.done $0x0  }
0xf0: {  	s11 =	sadd.s32 $0x0, s21;
	[sflag:s28] =	ssyncadd.s32 $0xFFFFFF60  }
0xf1: {  	[tilespmem:s29], [sflag:$0x3] =	stream.indirect.gather [hbm4b:s14+s22], $0x80, s25, s22, $0xb8;
	[tilespmem:$0x1F040] =	vst v63  }
0xf2: {  	s13 =	sadd.s32 $0x140, s11  }
0xf3: {  	[tilespmem:s30], [sflag:$0x3] =	stream.linear.gather [hbm4b:s13+s12], $0x500, $0x38;
	[tilespmem:$0x1F040] =	vst v63  }
0xf4: {  	_ =	swait.ge [sflag:s8], $0x2800  }
0xf5: {  	[sflag:s8] =	ssyncset.done $0x0  }
0xf6: {  	[sflag:s8] =	ssyncadd.s32 $0xFFFFD800  }
0xf7: {  	_ =	swait.ge [sflag:s8], $0x500  }
0xf8: {  	[sflag:s8] =	ssyncset.done $0x0  }
0xf9: {  	[sflag:s8] =	ssyncadd.s32 $0xFFFFFB00  }
0xfa: {  	_ =	swait.ge [sflag:s8], $0x500  }
0xfb: {  	[sflag:s8] =	ssyncset.done $0x0  }
0xfc: {  	[sflag:s8] =	ssyncadd.s32 $0xFFFFFB00  }
0xfd: {  	[tilespmem:s26], [sflag:$0x2] =	stream.strided.gather [hbm4b:s17+s22], $0xA0, s24, s22, $0x38;
	[tilespmem:$0x1F040] =	vst v63  }
0xfe: {  	_ =	swait.ge [sflag:s31], $0x2800  }
0xff: {  	[sflag:s31] =	ssyncset.done $0x0  }
0x100: {  	[sflag:s31] =	ssyncadd.s32 $0xFFFFD800  }
0x101: {  	_ =	swait.ge [sflag:s31], $0x500  }
0x102: {  	[sflag:s31] =	ssyncset.done $0x0  }
0x103: {  	[sflag:s31] =	ssyncadd.s32 $0xFFFFFB00  }
0x104: {  	[spmem:s16] =	stream.indirect.scatter.add.f32 [tilespmem:s29], [sflag:$0x5], $0x80, s0, s22, $0xb8;
	[tilespmem:$0x1F040] =	vst v63  }
0x105: {  	_ = 	snop  }
0x106: {  	[spmem:s18] =	stream.indirect.scatter.add.f32 [tilespmem:s30], [sflag:$0x5], $0x10, s0, s22, $0xb8;
	[tilespmem:$0x1F040] =	vst v63  }
0x107: {  	_ = 	snop  }
0x108: {  	[spmem:s20] =	stream.indirect.scatter.add.f32 [tilespmem:s1], [sflag:$0x5], $0x10, s0, s22, $0xb8;
	[tilespmem:$0x1F040] =	vst v63  }
0x109: {  	_ =	swait.ge [sflag:s2], $0xA0  }
0x10a: {  	s10 =	simm.s32 $0x140;
	[sflag:s2] =	ssyncset.done $0x0  }
0x10b: {  	s13 =	sadd.s32 $0x1E0, s11;
	s11 =	sadd.s32 $0x14, s17;
	[sflag:s2] =	ssyncadd.s32 $0xFFFFFF60  }
0x10c: {  	[tilespmem:s3], [sflag:$0x4] =	stream.indirect.gather [hbm4b:s14+s22], $0x80, s26, s22, $0xb8;
	[tilespmem:$0x1F040] =	vst v63  }
.LBB2_2:
0x10d: {  	[tilespmem:s4], [sflag:$0x4] =	stream.linear.gather [hbm4b:s13+s12], $0x500, $0x38;
	[tilespmem:$0x1F040] =	vst v63  }
0x10e: {  	s13 =	smov.u32 s10  }
0x10f: {  	p0 =	sne.s32 s10, $0x4B00;
	s10 =	sadd.s32 $0x140, s10;
	_ =	swait.ge [sflag:s5], $0x2800  }
0x110: {  	[sflag:s5] =	ssyncset.done $0x0  }
0x111: {  	[sflag:s5] =	ssyncadd.s32 $0xFFFFD800  }
0x112: {  	_ =	swait.ge [sflag:s5], $0x500  }
0x113: {  	[sflag:s5] =	ssyncset.done $0x0  }
0x114: {  	[sflag:s5] =	ssyncadd.s32 $0xFFFFFB00  }
0x115: {  	_ =	swait.ge [sflag:s5], $0x500  }
0x116: {  	[sflag:s5] =	ssyncset.done $0x0  }
0x117: {  	s17 =	sadd.s32 $0xFFFFFFF6, s11;
	[sflag:s5] =	ssyncadd.s32 $0xFFFFFB00  }
0x118: {  	[tilespmem:s25], [sflag:$0x1] =	stream.strided.gather [hbm4b:s17+s22], $0xA0, s24, s22, $0x38;
	[tilespmem:$0x1F040] =	vst v63  }
0x119: {  	_ =	swait.ge [sflag:s6], $0x2800  }
0x11a: {  	[sflag:s6] =	ssyncset.done $0x0  }
0x11b: {  	[sflag:s6] =	ssyncadd.s32 $0xFFFFD800  }
0x11c: {  	_ =	swait.ge [sflag:s6], $0x500  }
0x11d: {  	[sflag:s6] =	ssyncset.done $0x0  }
0x11e: {  	[sflag:s6] =	ssyncadd.s32 $0xFFFFFB00  }
0x11f: {  	[spmem:s16] =	stream.indirect.scatter.add.f32 [tilespmem:s3], [sflag:$0x6], $0x80, s7, s22, $0xb8;
	[tilespmem:$0x1F040] =	vst v63  }
0x120: {  	_ = 	snop  }
0x121: {  	[spmem:s18] =	stream.indirect.scatter.add.f32 [tilespmem:s4], [sflag:$0x6], $0x10, s7, s22, $0xb8;
	[tilespmem:$0x1F040] =	vst v63  }
0x122: {  	_ = 	snop  }
0x123: {  	[spmem:s20] =	stream.indirect.scatter.add.f32 [tilespmem:s1], [sflag:$0x6], $0x10, s7, s22, $0xb8;
	[tilespmem:$0x1F040] =	vst v63  }
0x124: {  	_ =	swait.ge [sflag:s28], $0xA0  }
0x125: {  	[sflag:s28] =	ssyncset.done $0x0  }
0x126: {  	s13 =	sadd.s32 s13, s21;
	[sflag:s28] =	ssyncadd.s32 $0xFFFFFF60  }
0x127: {  	[tilespmem:s29], [sflag:$0x3] =	stream.indirect.gather [hbm4b:s14+s22], $0x80, s25, s22, $0xb8;
	[tilespmem:$0x1F040] =	vst v63  }
0x128: {  	s17 =	sadd.s32 $0x140, s13  }
0x129: {  	[tilespmem:s30], [sflag:$0x3] =	stream.linear.gather [hbm4b:s17+s12], $0x500, $0x38;
	[tilespmem:$0x1F040] =	vst v63  }
0x12a: {  	_ =	swait.ge [sflag:s8], $0x2800  }
0x12b: {  	[sflag:s8] =	ssyncset.done $0x0  }
0x12c: {  	[sflag:s8] =	ssyncadd.s32 $0xFFFFD800  }
0x12d: {  	_ =	swait.ge [sflag:s8], $0x500  }
0x12e: {  	[sflag:s8] =	ssyncset.done $0x0  }
0x12f: {  	[sflag:s8] =	ssyncadd.s32 $0xFFFFFB00  }
0x130: {  	_ =	swait.ge [sflag:s8], $0x500  }
0x131: {  	[sflag:s8] =	ssyncset.done $0x0  }
0x132: {  	[sflag:s8] =	ssyncadd.s32 $0xFFFFFB00  }
0x133: {  	[tilespmem:s26], [sflag:$0x2] =	stream.strided.gather [hbm4b:s11+s22], $0xA0, s24, s22, $0x38;
	[tilespmem:$0x1F040] =	vst v63  }
0x134: {  	_ =	swait.ge [sflag:s31], $0x2800  }
0x135: {  	[sflag:s31] =	ssyncset.done $0x0  }
0x136: {  	[sflag:s31] =	ssyncadd.s32 $0xFFFFD800  }
0x137: {  	_ =	swait.ge [sflag:s31], $0x500  }
0x138: {  	[sflag:s31] =	ssyncset.done $0x0  }
0x139: {  	[sflag:s31] =	ssyncadd.s32 $0xFFFFFB00  }
0x13a: {  	[spmem:s16] =	stream.indirect.scatter.add.f32 [tilespmem:s29], [sflag:$0x5], $0x80, s0, s22, $0xb8;
	[tilespmem:$0x1F040] =	vst v63  }
0x13b: {  	_ = 	snop  }
0x13c: {  	[spmem:s18] =	stream.indirect.scatter.add.f32 [tilespmem:s30], [sflag:$0x5], $0x10, s0, s22, $0xb8;
	[tilespmem:$0x1F040] =	vst v63  }
0x13d: {  	_ = 	snop  }
0x13e: {  	[spmem:s20] =	stream.indirect.scatter.add.f32 [tilespmem:s1], [sflag:$0x5], $0x10, s0, s22, $0xb8;
	[tilespmem:$0x1F040] =	vst v63  }
.Ltmp0:
0x13f: {  	_ =	swait.ge [sflag:s2], $0xA0;
	(pc) =	sbr.rel @p0 .LBB2_2-.Ltmp0, $4  }
0x140: {  	[sflag:s2] =	ssyncset.done $0x0  }
0x141: {  	[sflag:s2] =	ssyncadd.s32 $0xFFFFFF60  }
0x142: {  	[tilespmem:s3], [sflag:$0x4] =	stream.indirect.gather [hbm4b:s14+s22], $0x80, s26, s22, $0xb8;
	[tilespmem:$0x1F040] =	vst v63  }
0x143: {  	s13 =	sadd.s32 $0x1E0, s13;
	s11 =	sadd.s32 $0x14, s11  }
0x144: {  	[tilespmem:s4], [sflag:$0x4] =	stream.linear.gather [hbm4b:s13+s12], $0x500, $0x38;
	[tilespmem:$0x1F040] =	vst v63  }
0x145: {  	_ =	swait.ge [sflag:s5], $0x2800  }
0x146: {  	[sflag:s5] =	ssyncset.done $0x0  }
0x147: {  	[sflag:s5] =	ssyncadd.s32 $0xFFFFD800  }
0x148: {  	_ =	swait.ge [sflag:s5], $0x500  }
0x149: {  	[sflag:s5] =	ssyncset.done $0x0  }
0x14a: {  	[sflag:s5] =	ssyncadd.s32 $0xFFFFFB00  }
0x14b: {  	_ =	swait.ge [sflag:s5], $0x500  }
0x14c: {  	[sflag:s5] =	ssyncset.done $0x0  }
0x14d: {  	s10 =	rddreg [dreg:$0x14];
	[sflag:s5] =	ssyncadd.s32 $0xFFFFFB00  }
0x14e: {  	[tilespmem:s25], [sflag:$0x1] =	stream.strided.gather [hbm4b:s10+s22], $0xA0, s24, s22, $0x38;
	[tilespmem:$0x1F040] =	vst v63  }
0x14f: {  	_ =	swait.ge [sflag:s6], $0x2800  }
0x150: {  	[sflag:s6] =	ssyncset.done $0x0  }
0x151: {  	[sflag:s6] =	ssyncadd.s32 $0xFFFFD800  }
0x152: {  	_ =	swait.ge [sflag:s6], $0x500  }
0x153: {  	[sflag:s6] =	ssyncset.done $0x0  }
0x154: {  	[sflag:s6] =	ssyncadd.s32 $0xFFFFFB00  }
0x155: {  	[spmem:s16] =	stream.indirect.scatter.add.f32 [tilespmem:s3], [sflag:$0x6], $0x80, s7, s22, $0xb8;
	[tilespmem:$0x1F040] =	vst v63  }
0x156: {  	_ = 	snop  }
0x157: {  	[spmem:s18] =	stream.indirect.scatter.add.f32 [tilespmem:s4], [sflag:$0x6], $0x10, s7, s22, $0xb8;
	[tilespmem:$0x1F040] =	vst v63  }
0x158: {  	_ = 	snop  }
0x159: {  	[spmem:s20] =	stream.indirect.scatter.add.f32 [tilespmem:s1], [sflag:$0x6], $0x10, s7, s22, $0xb8;
	[tilespmem:$0x1F040] =	vst v63  }
0x15a: {  	_ =	swait.ge [sflag:s28], $0xA0  }
0x15b: {  	[sflag:s28] =	ssyncset.done $0x0  }
0x15c: {  	[sflag:s28] =	ssyncadd.s32 $0xFFFFFF60  }
0x15d: {  	[tilespmem:s29], [sflag:$0x3] =	stream.indirect.gather [hbm4b:s14+s22], $0x80, s25, s22, $0xb8;
	[tilespmem:$0x1F040] =	vst v63  }
0x15e: {  	s13 =	rddreg [dreg:$0x11]  }
0x15f: {  	[tilespmem:s30], [sflag:$0x3] =	stream.linear.gather [hbm4b:s13+s12], $0x500, $0x38;
	[tilespmem:$0x1F040] =	vst v63  }
0x160: {  	_ =	swait.ge [sflag:s31], $0x2800  }
0x161: {  	[sflag:s31] =	ssyncset.done $0x0  }
0x162: {  	[sflag:s31] =	ssyncadd.s32 $0xFFFFD800  }
0x163: {  	_ =	swait.ge [sflag:s31], $0x500  }
0x164: {  	[sflag:s31] =	ssyncset.done $0x0  }
0x165: {  	[sflag:s31] =	ssyncadd.s32 $0xFFFFFB00  }
0x166: {  	[spmem:s16] =	stream.indirect.scatter.add.f32 [tilespmem:s29], [sflag:$0x5], $0x80, s0, s22, $0xb8;
	[tilespmem:$0x1F040] =	vst v63  }
0x167: {  	_ = 	snop  }
0x168: {  	[spmem:s18] =	stream.indirect.scatter.add.f32 [tilespmem:s30], [sflag:$0x5], $0x10, s0, s22, $0xb8;
	[tilespmem:$0x1F040] =	vst v63  }
0x169: {  	_ = 	snop  }
0x16a: {  	[spmem:s20] =	stream.indirect.scatter.add.f32 [tilespmem:s1], [sflag:$0x5], $0x10, s0, s22, $0xb8;
	[tilespmem:$0x1F040] =	vst v63  }
0x16b: {  	_ =	swait.ge [sflag:s8], $0x2800  }
0x16c: {  	[sflag:s8] =	ssyncset.done $0x0  }
0x16d: {  	[sflag:s8] =	ssyncadd.s32 $0xFFFFD800  }
0x16e: {  	_ =	swait.ge [sflag:s8], $0x500  }
0x16f: {  	[sflag:s8] =	ssyncset.done $0x0  }
0x170: {  	[sflag:s8] =	ssyncadd.s32 $0xFFFFFB00  }
0x171: {  	_ =	swait.ge [sflag:s8], $0x500  }
0x172: {  	[sflag:s8] =	ssyncset.done $0x0  }
0x173: {  	[sflag:s8] =	ssyncadd.s32 $0xFFFFFB00  }
0x174: {  	_ =	swait.ge [sflag:s5], $0x2800  }
0x175: {  	[sflag:s5] =	ssyncset.done $0x0  }
0x176: {  	[sflag:s5] =	ssyncadd.s32 $0xFFFFD800  }
0x177: {  	_ =	swait.ge [sflag:s5], $0x500  }
0x178: {  	[sflag:s5] =	ssyncset.done $0x0  }
0x179: {  	[sflag:s5] =	ssyncadd.s32 $0xFFFFFB00  }
0x17a: {  	_ =	swait.ge [sflag:s5], $0x500  }
0x17b: {  	[sflag:s5] =	ssyncset.done $0x0  }
0x17c: {  	[sflag:s5] =	ssyncadd.s32 $0xFFFFFB00  }
0x17d: {  	[bflag:$0x0] =	sbarrier.arrive $0xFFFF  }
0x17e: {  	s17 =	sld [smem:$0x7F2]  }
0x17f: {  	s11 =	sld [smem:$0x7E9];
	_ =	sdelay $0x2  }
0x180: {  	[hbm:s17], [sflag:s23] =	dma.local [spmem:s11], $0x500  }
0x181: {  	_ =	swait.ge [sflag:s19], $0x500  }
0x182: {  	s13 =	sld [smem:$0x7F3]  }
0x183: {  	s17 =	sld [smem:$0x7EA]  }
0x184: {  	[sflag:s19] =	ssyncset.done $0x0  }
0x185: {  	[sflag:s19] =	ssyncadd.s32 $0xFFFFFB00  }
0x186: {  	[hbm:s13], [sflag:s23] =	dma.local [spmem:s17], $0x500  }
0x187: {  	_ =	swait.ge [sflag:s19], $0x500  }
0x188: {  	s13 =	sld [smem:$0x7F4]  }
0x189: {  	s17 =	sld [smem:$0x7EB]  }
0x18a: {  	[sflag:s19] =	ssyncset.done $0x0  }
0x18b: {  	[sflag:s19] =	ssyncadd.s32 $0xFFFFFB00  }
0x18c: {  	[hbm:s13], [sflag:s23] =	dma.local [spmem:s17], $0x500  }
0x18d: {  	_ =	swait.ge [sflag:s19], $0x500  }
0x18e: {  	s13 =	sld [smem:$0x7F5]  }
0x18f: {  	s17 =	sld [smem:$0x7EC]  }
0x190: {  	[sflag:s19] =	ssyncset.done $0x0  }
0x191: {  	[sflag:s19] =	ssyncadd.s32 $0xFFFFFB00  }
0x192: {  	[hbm:s13], [sflag:s23] =	dma.local [spmem:s17], $0x500  }
0x193: {  	_ =	swait.ge [sflag:s19], $0x500  }
0x194: {  	s13 =	sld [smem:$0x7F6]  }
0x195: {  	s17 =	sld [smem:$0x7ED]  }
0x196: {  	[sflag:s19] =	ssyncset.done $0x0  }
0x197: {  	[sflag:s19] =	ssyncadd.s32 $0xFFFFFB00  }
0x198: {  	[hbm:s13], [sflag:s23] =	dma.local [spmem:s17], $0x500  }
0x199: {  	_ =	swait.ge [sflag:s19], $0x500  }
0x19a: {  	s13 =	sld [smem:$0x7F7]  }
0x19b: {  	s17 =	sld [smem:$0x7EE]  }
0x19c: {  	[sflag:s19] =	ssyncset.done $0x0  }
0x19d: {  	[sflag:s19] =	ssyncadd.s32 $0xFFFFFB00  }
0x19e: {  	[hbm:s13], [sflag:s23] =	dma.local [spmem:s17], $0x500  }
0x19f: {  	_ =	swait.ge [sflag:s19], $0x500  }
0x1a0: {  	s13 =	sld [smem:$0x7F8]  }
0x1a1: {  	s17 =	sld [smem:$0x7EF]  }
0x1a2: {  	[sflag:s19] =	ssyncset.done $0x0  }
0x1a3: {  	[sflag:s19] =	ssyncadd.s32 $0xFFFFFB00  }
0x1a4: {  	[hbm:s13], [sflag:s23] =	dma.local [spmem:s17], $0x500  }
0x1a5: {  	_ =	swait.ge [sflag:s19], $0x500  }
0x1a6: {  	s13 =	sld [smem:$0x7F9]  }
0x1a7: {  	s17 =	sld [smem:$0x7F0]  }
0x1a8: {  	[sflag:s19] =	ssyncset.done $0x0  }
0x1a9: {  	[sflag:s19] =	ssyncadd.s32 $0xFFFFFB00  }
0x1aa: {  	[hbm:s13], [sflag:s23] =	dma.local [spmem:s17], $0x500  }
0x1ab: {  	_ =	swait.ge [sflag:s19], $0x500  }
0x1ac: {  	s13 =	sld [smem:$0x7FA]  }
0x1ad: {  	s17 =	sld [smem:$0x7F1]  }
0x1ae: {  	[sflag:s19] =	ssyncset.done $0x0  }
0x1af: {  	[sflag:s19] =	ssyncadd.s32 $0xFFFFFB00  }
0x1b0: {  	[hbm:s13], [sflag:s23] =	dma.local [spmem:s17], $0x500  }
0x1b1: {  	_ =	swait.ge [sflag:s19], $0x500  }
0x1b2: {  	s13 =	sld [smem:$0x7FB]  }
0x1b3: {  	[sflag:s19] =	ssyncset.done $0x0  }
0x1b4: {  	[sflag:s19] =	ssyncadd.s32 $0xFFFFFB00  }
0x1b5: {  	[hbm:s13], [sflag:s23] =	dma.local [spmem:s15], $0x500  }
0x1b6: {  	_ =	swait.ge [sflag:s19], $0x500  }
0x1b7: {  	s17 =	sld [smem:$0x7FC];
	_ =	sdelay $0x1  }
0x1b8: {  	s9 =	sadd.s32 $0x1, s9  }
0x1b9: {  	p0 =	sne.s32 s9, s17  }
.Ltmp1:
0x1ba: {  	_ = 	snop;
	(pc) =	sbr.rel @p0 .LBB2_1-.Ltmp1, $3  }
0x1bb: {  	_ =	sdelay $0x1  }
0x1bc: {  	[sflag:s19] =	ssyncset.done $0x0  }
0x1bd: {  	[sflag:s19] =	ssyncadd.s32 $0xFFFFFB00  }
0x1be: {  	_ =	sfence.sel $0x180000  }
0x1bf: {  	[bflag:$0x0] =	sbarrier.arrive $0xFFFF  }
0x1c0: {  	_ =	strace $0x90000047  }
0x1c1: {  	s0 =	stileid.u32;
	[bflag:$0x2] =	sbarrier.arrive $0xFFFF  }
0x1c2: {  	p0 =	sne.s32 s0, $0x0;
	s0 =	rddreg [dreg:$0x6]  }
0x1c3: {  	s0 =	sadd.s32 @!p0 $0x100000, s0  }
0x1c4: {  	[sflag:s0] =	ssyncadd.tile.s32 @!p0 $0x1;
	_ =	shalt  }
.Lfunc_end2:
_tile_overlayer_lowered:
.L_overlay_start_2:
0x1c5: {  	(tag) =	ssettag $0x2  }
0x1c6: {  	s0 =	rddreg [dreg:$0x0];
	s2 =	stileid.u32  }
0x1c7: {  	s1 =	rddreg [dreg:$0x1];
	p0 =	sne.s32 s2, $0x0  }
0x1c8: {  	s3 =	rddreg [dreg:$0x2];
	[bflag:$0x3] =	sbarrier.arrive $0xFFFF;
	s2 =	simm.s32 @!p0 $0x1C07  }
0x1c9: {  	[timem:s3], [sflag:s2] =	dma.local @!p0 [hbm:s0], s1  }
0x1ca: {  	s0 =	simm.s32 @!p0 $0x7  }
0x1cb: {  	_ =	swait.ge @!p0 [sflag:s0], s1  }
0x1cc: {  	s1 =	ssub.s32 @!p0 $0x0, s1;
	[sflag:s0] =	ssyncset.done @!p0 $0x0  }
0x1cd: {  	[sflag:s0] =	ssyncadd.s32 @!p0 s1  }
0x1ce: {  	[bflag:$0x3] =	sbarrier.arrive $0xFFFF  }
0x1cf: {  	_ =	shalt  }

</sc_bundles>
